<compile_context>
chip_gen: v7x
topology: tpu7x:2x2x1
jax: 0.10.2.dev20260603
libtpu: 0.0.44.dev20260713+nightly
codegen_flags: <defaults>
</compile_context>

<pallas_src>
import jax
import jax.numpy as jnp
from jax import lax
from jax.experimental import pallas as pl
from jax.experimental.pallas import tpu as pltpu
from jax.experimental.pallas import tpu_sc as plsc

L = 16
NW = 32
BC = 4096
UNROLL = 8


def _make_sc_kernel(B, E, F, U_VOCAB, I_VOCAB, NSEQ):
    NCH = B // BC
    GRP = BC // L // UNROLL

    def tower(tbl, idx_hbm, plane_v, idx_v, outs, pos_v, out_hbm,
              e, row0, sem, osem):
        pltpu.sync_copy(idx_hbm, idx_v)
        pltpu.async_copy(outs[0], out_hbm.at[row0, e, pl.ds(0, BC)], osem)
        pltpu.async_copy(outs[1], out_hbm.at[row0, e, pl.ds(BC, BC)], osem)
        pltpu.async_copy(tbl.at[e, 0, :], plane_v, sem)

        def plane(f, carry):
            pltpu.make_async_copy(tbl.at[e, 0, :], plane_v, sem).wait()
            row = row0 + f
            pos_splat = plsc.load_gather(
                pos_v, [jnp.full((L,), 0, jnp.int32) + (row * E + e)])
            for c in range(NCH):
                out_c = outs[c % 2]
                pltpu.make_async_copy(
                    out_hbm.at[row0, e, pl.ds(0, BC)], out_c, osem).wait()
                @plsc.parallel_loop(0, BC, step=L, unroll=UNROLL)
                def grp(o):
                    u16 = idx_v[pl.ds(c * BC + o, L)]
                    v = plsc.load_gather(plane_v, [u16])
                    out_c[pl.ds(o, L)] = v + pos_splat
                pltpu.async_copy(out_c, out_hbm.at[row, e, pl.ds(c * BC, BC)],
                                 osem)
            @pl.when(f + 1 < F)
            def _pf():
                pltpu.async_copy(tbl.at[e, f + 1, :], plane_v, sem)
            return carry
        lax.fori_loop(0, F, plane, 0)
        pltpu.make_async_copy(out_hbm.at[row0, e, pl.ds(0, BC)], outs[0],
                              osem).wait()
        pltpu.make_async_copy(out_hbm.at[row0, e, pl.ds(0, BC)], outs[1],
                              osem).wait()

    def body(u_hbm, i_hbm, ut_hbm, it_hbm, cls_hbm, pos_hbm, out_hbm,
             plane_v, idx_v, out_a, out_b, pos_v, cls_v, sem, osem):
        wid = lax.axis_index("s") * 2 + lax.axis_index("c")
        e = wid % E
        pltpu.sync_copy(pos_hbm, pos_v)
        pltpu.sync_copy(cls_hbm, cls_v)

        @pl.when(wid < E)
        def _user():
            esplat = jnp.full((L,), 0, jnp.int32) + e
            splat = plsc.load_gather(cls_v, [esplat]) + \
                plsc.load_gather(pos_v, [esplat])
            def fill(g, carry):
                for j in range(UNROLL):
                    out_a[pl.ds(g * (L * UNROLL) + j * L, L)] = splat
                return carry
            lax.fori_loop(0, GRP, fill, 0)
            def wr(c, carry):
                pltpu.sync_copy(out_a, out_hbm.at[0, e, pl.ds(c * BC, BC)])
                return carry
            lax.fori_loop(0, NCH, wr, 0)
            tower(ut_hbm, u_hbm, plane_v, idx_v, (out_a, out_b), pos_v,
                  out_hbm, e, 1, sem, osem)

        @pl.when(wid >= E)
        def _item():
            tower(it_hbm, i_hbm, plane_v, idx_v, (out_a, out_b), pos_v,
                  out_hbm, e, 1 + F, sem, osem)

    return pl.kernel(
        body,
        out_type=jax.ShapeDtypeStruct((NSEQ, E, B), jnp.float32),
        mesh=plsc.VectorSubcoreMesh(core_axis_name="c", subcore_axis_name="s"),
        compiler_params=pltpu.CompilerParams(
            needs_layout_passes=False, use_tc_tiling_on_sc=True),
        scratch_types=[
            pltpu.VMEM((U_VOCAB,), jnp.float32),
            pltpu.VMEM((B,), jnp.int32),
            pltpu.VMEM((BC,), jnp.float32),
            pltpu.VMEM((BC,), jnp.float32),
            pltpu.VMEM((NSEQ * E,), jnp.float32),
            pltpu.VMEM((E,), jnp.float32),
            pltpu.SemaphoreType.DMA,
            pltpu.SemaphoreType.DMA,
        ],
    )


def kernel(user, item, user_tables, item_tables, cls_token, positions):
    B = user.shape[0]
    E, U_VOCAB, F = user_tables.shape
    I_VOCAB = item_tables.shape[1]
    NSEQ = 2 * F + 1
    u = user.reshape(B)
    i = item.reshape(B)
    ut = jnp.transpose(user_tables, (0, 2, 1))
    it = jnp.transpose(item_tables, (0, 2, 1))
    cls_flat = cls_token.reshape(E)
    pos_flat = positions.reshape(NSEQ * E)
    fn = _make_sc_kernel(B, E, F, U_VOCAB, I_VOCAB, NSEQ)
    out = fn(u, i, ut, it, cls_flat, pos_flat)
    return jnp.transpose(out, (2, 0, 1))

# --- scband reference (transcript-rebuilt; emitter-appended) ---
"""Pipeline reference for scband-embedding-27350351740979 (READ-ONLY COPY).

The authoritative reference and input builder live on the scoring server;
editing this copy changes nothing except your own understanding.
"""

import jax, jax.numpy as jnp
import numpy as np

USER_NUM = 100000
ITEM_NUM = 100000
EMB_SIZE = 16
FACTOR_NUM = 16
B = 16384


def setup_inputs(seed: int = 0) -> dict:
    key = jax.random.key(seed)
    k1, k2, k3, k4, k5, k6 = jax.random.split(key, 6)
    user = jax.random.randint(k1, (B, 1), 0, USER_NUM, dtype=jnp.int32)
    item = jax.random.randint(k2, (B, 1), 0, ITEM_NUM, dtype=jnp.int32)
    # emb_size independent embedding tables per tower, stacked on axis 0
    user_tables = jax.random.normal(k3, (EMB_SIZE, USER_NUM, FACTOR_NUM), dtype=jnp.float32) * 0.02
    item_tables = jax.random.normal(k4, (EMB_SIZE, ITEM_NUM, FACTOR_NUM), dtype=jnp.float32) * 0.02
    cls_token = jax.random.normal(k5, (1, 1, EMB_SIZE), dtype=jnp.float32)
    positions = jax.random.normal(k6, (2 * FACTOR_NUM + 1, EMB_SIZE), dtype=jnp.float32)
    return {
        "user": user,
        "item": item,
        "user_tables": user_tables,
        "item_tables": item_tables,
        "cls_token": cls_token,
        "positions": positions,
    }


def reference(user, item, user_tables, item_tables, cls_token, positions):
    b = user.shape[0]
    u_idx = user[:, 0]
    i_idx = item[:, 0]
    # [layer(user) for layer in embed_user] then cat(dim=1):
    # each layer(user) is (b, 1, F); concatenating E of them -> (b, E, F)
    eu = jnp.take(user_tables, u_idx, axis=1)  # (E, b, F)
    eu = jnp.transpose(eu, (1, 0, 2))          # (b, E, F)
    ei = jnp.take(item_tables, i_idx, axis=1)  # (E, b, F)
    ei = jnp.transpose(ei, (1, 0, 2))          # (b, E, F)
    # rearrange 'b n c -> b c n'
    eu = jnp.transpose(eu, (0, 2, 1))          # (b, F, E)
    ei = jnp.transpose(ei, (0, 2, 1))          # (b, F, E)
    x = jnp.concatenate([eu, ei], axis=1)      # (b, 2F, E)
    cls_tokens = jnp.broadcast_to(cls_token, (b, 1, EMB_SIZE))
    x = jnp.concatenate([cls_tokens, x], axis=1)  # (b, 2F+1, E)
    x = x + positions                              # broadcast (2F+1, E)
    return x

if __name__ == "__main__":
    import jax
    _d = setup_inputs()
    print(jax.jit(kernel)(*tuple(_d.values())))

</pallas_src>

<mosaic_0001>
#map = affine_map<(d0, d1) -> (0)>
#map1 = affine_map<(d0, d1) -> (0, 0, 0)>
module attributes {stable_mosaic.version = 14 : i64} {
  func.func @body(%arg0: i32, %arg1: i32, %arg2: memref<16384xi32, #tpu.memory_space<hbm>>, %arg3: memref<16384xi32, #tpu.memory_space<hbm>>, %arg4: memref<16x16x100000xf32, #tpu.memory_space<hbm>>, %arg5: memref<16x16x100000xf32, #tpu.memory_space<hbm>>, %arg6: memref<16xf32, #tpu.memory_space<hbm>>, %arg7: memref<528xf32, #tpu.memory_space<hbm>>, %arg8: memref<33x16x16384xf32, #tpu.memory_space<hbm>>, %arg9: memref<100000xf32, #tpu.memory_space<vmem>>, %arg10: memref<16384xi32, #tpu.memory_space<vmem>>, %arg11: memref<4096xf32, #tpu.memory_space<vmem>>, %arg12: memref<4096xf32, #tpu.memory_space<vmem>>, %arg13: memref<528xf32, #tpu.memory_space<vmem>>, %arg14: memref<16xf32, #tpu.memory_space<vmem>>, %arg15: memref<!tpu.dma_semaphore, #tpu.memory_space<semaphore_mem>>, %arg16: memref<!tpu.dma_semaphore, #tpu.memory_space<semaphore_mem>>) attributes {dimension_semantics = [#tpu.dimension_semantics<core_parallel>, #tpu.dimension_semantics<subcore_parallel>], iteration_bounds = array<i64: 2, 16>, scalar_prefetch = 0 : i64, scratch_operands = 8 : i64, tpu.core_type = #tpu.core_type<sc_vector_subcore>, window_params = [{transform_indices = #map}, {transform_indices = #map}, {transform_indices = #map1}, {transform_indices = #map1}, {transform_indices = #map}, {transform_indices = #map}, {transform_indices = #map1}]} {
    %mul3A = arith.constant 2 : i32
    %mul3A_0 = arith.muli %arg1, %mul3A : i32
    %add3A = arith.addi %mul3A_0, %arg0 : i32
    %jit3A = arith.constant 16 : i32
    %eq3A = arith.constant 0 : i32
    %eq3A_1 = arith.cmpi eq, %jit3A, %eq3A : i32
    %jit3A_2 = arith.constant 1 : i32
    %select_n3A = arith.select %eq3A_1, %jit3A_2, %jit3A : i32
    %rem3A = arith.remsi %add3A, %select_n3A : i32
    %ne3A = arith.constant 0 : i32
    %ne3A_3 = arith.cmpi ne, %rem3A, %ne3A : i32
    %lt3A = arith.constant 0 : i32
    %lt3A_4 = arith.cmpi slt, %rem3A, %lt3A : i32
    %lt3A_5 = arith.constant 0 : i32
    %lt3A_6 = arith.cmpi slt, %select_n3A, %lt3A_5 : i32
    %ne3A_7 = arith.xori %lt3A_4, %lt3A_6 : i1
    %and3A = arith.andi %ne3A_7, %ne3A_3 : i1
    %add3A_8 = arith.addi %rem3A, %select_n3A : i32
    %select_n3A_9 = arith.select %and3A, %add3A_8, %rem3A : i32
    "tpu.region"() ({
      %run_scoped3A = tpu.sem_alloc : memref<!tpu.dma_semaphore, #tpu.memory_space<semaphore_mem>>
      tpu.enqueue_dma source(%arg7 : memref<528xf32, #tpu.memory_space<hbm>>) target(%arg13 : memref<528xf32, #tpu.memory_space<vmem>>) target_semaphore(%run_scoped3A : memref<!tpu.dma_semaphore, #tpu.memory_space<semaphore_mem>>)
      tpu.wait_dma2 semaphore(%run_scoped3A : memref<!tpu.dma_semaphore, #tpu.memory_space<semaphore_mem>>) src(%arg7 : memref<528xf32, #tpu.memory_space<hbm>>) dst(%arg13 : memref<528xf32, #tpu.memory_space<vmem>>)
      tpu.yield
    }) : () -> ()
    "tpu.region"() ({
      %run_scoped3A = tpu.sem_alloc : memref<!tpu.dma_semaphore, #tpu.memory_space<semaphore_mem>>
      tpu.enqueue_dma source(%arg6 : memref<16xf32, #tpu.memory_space<hbm>>) target(%arg14 : memref<16xf32, #tpu.memory_space<vmem>>) target_semaphore(%run_scoped3A : memref<!tpu.dma_semaphore, #tpu.memory_space<semaphore_mem>>)
      tpu.wait_dma2 semaphore(%run_scoped3A : memref<!tpu.dma_semaphore, #tpu.memory_space<semaphore_mem>>) src(%arg6 : memref<16xf32, #tpu.memory_space<hbm>>) dst(%arg14 : memref<16xf32, #tpu.memory_space<vmem>>)
      tpu.yield
    }) : () -> ()
    %lt3A_10 = arith.constant 16 : i32
    %lt3A_11 = arith.cmpi slt, %add3A, %lt3A_10 : i32
    %convert_element_type3A = arith.extui %lt3A_11 : i1 to i32
    %cond3A = arith.constant 0 : i32
    %cond3A_12 = arith.cmpi ne, %convert_element_type3A, %cond3A : i32
    scf.if %cond3A_12 {
      %broadcast_in_dim3A = arith.constant 0 : i32
      %broadcast_in_dim3A_17 = vector.broadcast %broadcast_in_dim3A : i32 to vector<16xi32>
      %add3A_18 = vector.broadcast %select_n3A_9 : i32 to vector<16xi32>
      %add3A_19 = arith.addi %broadcast_in_dim3A_17, %add3A_18 : vector<16xi32>
      %gather3A = tpu.vector_load_idx %arg14[%add3A_19] : memref<16xf32, #tpu.memory_space<vmem>>[vector<16xi32>], vector<16xf32>,
      %gather3A_20 = tpu.vector_load_idx %arg13[%add3A_19] : memref<528xf32, #tpu.memory_space<vmem>>[vector<16xi32>], vector<16xf32>,
      %add3A_21 = arith.addf %gather3A, %gather3A_20 : vector<16xf32>
      %scan3A = arith.constant 0 : i32
      %scan3A_22 = arith.constant 0 : i32
      %scan3A_23 = arith.constant 32 : i32
      %scan3A_24 = arith.addi %scan3A_22, %scan3A_23 : i32
      %scan3A_25 = arith.constant 1 : i32
      scf.for %scan3A_72 = %scan3A_22 to %scan3A_24 step %scan3A_25  : i32 {
        %mul3A_73 = arith.constant 128 : i32
        %mul3A_74 = arith.muli %scan3A_72, %mul3A_73 : i32
        %add3A_75 = arith.constant 0 : i32
        %add3A_76 = arith.addi %mul3A_74, %add3A_75 : i32
        %swap3A = arith.index_cast %add3A_76 : i32 to index
        %swap3A_77 = tpu.vector_load %arg11[%swap3A] {strides = array<i32>} : memref<4096xf32, #tpu.memory_space<vmem>>, vector<16xf32>,
        tpu.vector_store %arg11[%swap3A], %add3A_21 {strides = array<i32>} : memref<4096xf32, #tpu.memory_space<vmem>>, vector<16xf32>,
        %mul3A_78 = arith.constant 128 : i32
        %mul3A_79 = arith.muli %scan3A_72, %mul3A_78 : i32
        %add3A_80 = arith.constant 16 : i32
        %add3A_81 = arith.addi %mul3A_79, %add3A_80 : i32
        %swap3A_82 = arith.index_cast %add3A_81 : i32 to index
        %swap3A_83 = tpu.vector_load %arg11[%swap3A_82] {strides = array<i32>} : memref<4096xf32, #tpu.memory_space<vmem>>, vector<16xf32>,
        tpu.vector_store %arg11[%swap3A_82], %add3A_21 {strides = array<i32>} : memref<4096xf32, #tpu.memory_space<vmem>>, vector<16xf32>,
        %mul3A_84 = arith.constant 128 : i32
        %mul3A_85 = arith.muli %scan3A_72, %mul3A_84 : i32
        %add3A_86 = arith.constant 32 : i32
        %add3A_87 = arith.addi %mul3A_85, %add3A_86 : i32
        %swap3A_88 = arith.index_cast %add3A_87 : i32 to index
        %swap3A_89 = tpu.vector_load %arg11[%swap3A_88] {strides = array<i32>} : memref<4096xf32, #tpu.memory_space<vmem>>, vector<16xf32>,
        tpu.vector_store %arg11[%swap3A_88], %add3A_21 {strides = array<i32>} : memref<4096xf32, #tpu.memory_space<vmem>>, vector<16xf32>,
        %mul3A_90 = arith.constant 128 : i32
        %mul3A_91 = arith.muli %scan3A_72, %mul3A_90 : i32
        %add3A_92 = arith.constant 48 : i32
        %add3A_93 = arith.addi %mul3A_91, %add3A_92 : i32
        %swap3A_94 = arith.index_cast %add3A_93 : i32 to index
        %swap3A_95 = tpu.vector_load %arg11[%swap3A_94] {strides = array<i32>} : memref<4096xf32, #tpu.memory_space<vmem>>, vector<16xf32>,
        tpu.vector_store %arg11[%swap3A_94], %add3A_21 {strides = array<i32>} : memref<4096xf32, #tpu.memory_space<vmem>>, vector<16xf32>,
        %mul3A_96 = arith.constant 128 : i32
        %mul3A_97 = arith.muli %scan3A_72, %mul3A_96 : i32
        %add3A_98 = arith.constant 64 : i32
        %add3A_99 = arith.addi %mul3A_97, %add3A_98 : i32
        %swap3A_100 = arith.index_cast %add3A_99 : i32 to index
        %swap3A_101 = tpu.vector_load %arg11[%swap3A_100] {strides = array<i32>} : memref<4096xf32, #tpu.memory_space<vmem>>, vector<16xf32>,
        tpu.vector_store %arg11[%swap3A_100], %add3A_21 {strides = array<i32>} : memref<4096xf32, #tpu.memory_space<vmem>>, vector<16xf32>,
        %mul3A_102 = arith.constant 128 : i32
        %mul3A_103 = arith.muli %scan3A_72, %mul3A_102 : i32
        %add3A_104 = arith.constant 80 : i32
        %add3A_105 = arith.addi %mul3A_103, %add3A_104 : i32
        %swap3A_106 = arith.index_cast %add3A_105 : i32 to index
        %swap3A_107 = tpu.vector_load %arg11[%swap3A_106] {strides = array<i32>} : memref<4096xf32, #tpu.memory_space<vmem>>, vector<16xf32>,
        tpu.vector_store %arg11[%swap3A_106], %add3A_21 {strides = array<i32>} : memref<4096xf32, #tpu.memory_space<vmem>>, vector<16xf32>,
        %mul3A_108 = arith.constant 128 : i32
        %mul3A_109 = arith.muli %scan3A_72, %mul3A_108 : i32
        %add3A_110 = arith.constant 96 : i32
        %add3A_111 = arith.addi %mul3A_109, %add3A_110 : i32
        %swap3A_112 = arith.index_cast %add3A_111 : i32 to index
        %swap3A_113 = tpu.vector_load %arg11[%swap3A_112] {strides = array<i32>} : memref<4096xf32, #tpu.memory_space<vmem>>, vector<16xf32>,
        tpu.vector_store %arg11[%swap3A_112], %add3A_21 {strides = array<i32>} : memref<4096xf32, #tpu.memory_space<vmem>>, vector<16xf32>,
        %mul3A_114 = arith.constant 128 : i32
        %mul3A_115 = arith.muli %scan3A_72, %mul3A_114 : i32
        %add3A_116 = arith.constant 112 : i32
        %add3A_117 = arith.addi %mul3A_115, %add3A_116 : i32
        %swap3A_118 = arith.index_cast %add3A_117 : i32 to index
        %swap3A_119 = tpu.vector_load %arg11[%swap3A_118] {strides = array<i32>} : memref<4096xf32, #tpu.memory_space<vmem>>, vector<16xf32>,
        tpu.vector_store %arg11[%swap3A_118], %add3A_21 {strides = array<i32>} : memref<4096xf32, #tpu.memory_space<vmem>>, vector<16xf32>,
      }
      %scan3A_26 = arith.constant 32 : i32
      %scan3A_27 = arith.constant 0 : i32
      %scan3A_28 = arith.constant 0 : i32
      %scan3A_29 = arith.constant 4 : i32
      %scan3A_30 = arith.addi %scan3A_28, %scan3A_29 : i32
      %scan3A_31 = arith.constant 1 : i32
      scf.for %scan3A_72 = %scan3A_28 to %scan3A_30 step %scan3A_31  : i32 {
        %mul3A_73 = arith.constant 4096 : i32
        %mul3A_74 = arith.muli %scan3A_72, %mul3A_73 : i32
        %run_scoped3A = arith.constant 0 : i32
        "tpu.region"() ({
          %run_scoped3A_75 = tpu.sem_alloc : memref<!tpu.dma_semaphore, #tpu.memory_space<semaphore_mem>>
          %dma_start3A_76 = tpu.memref_slice %arg8[%run_scoped3A, %select_n3A_9, %mul3A_74] : memref<33x16x16384xf32, #tpu.memory_space<hbm>> -> memref<1x1x4096xf32, #tpu.memory_space<hbm>>
          %dma_start3A_77 = tpu.memref_squeeze %dma_start3A_76 : memref<1x1x4096xf32, #tpu.memory_space<hbm>> -> memref<4096xf32, #tpu.memory_space<hbm>>
          %dma_start3A_78 = tpu.memref_slice %arg8[%run_scoped3A, %select_n3A_9, %mul3A_74] : memref<33x16x16384xf32, #tpu.memory_space<hbm>> -> memref<1x1x4096xf32, #tpu.memory_space<hbm>>
          %dma_start3A_79 = tpu.memref_squeeze %dma_start3A_78 : memref<1x1x4096xf32, #tpu.memory_space<hbm>> -> memref<4096xf32, #tpu.memory_space<hbm>>
          tpu.enqueue_dma source(%arg11 : memref<4096xf32, #tpu.memory_space<vmem>>) target(%dma_start3A_79 : memref<4096xf32, #tpu.memory_space<hbm>>) target_semaphore(%run_scoped3A_75 : memref<!tpu.dma_semaphore, #tpu.memory_space<semaphore_mem>>)
          %dma_wait3A_80 = tpu.memref_slice %arg8[%run_scoped3A, %select_n3A_9, %mul3A_74] : memref<33x16x16384xf32, #tpu.memory_space<hbm>> -> memref<1x1x4096xf32, #tpu.memory_space<hbm>>
          %dma_wait3A_81 = tpu.memref_squeeze %dma_wait3A_80 : memref<1x1x4096xf32, #tpu.memory_space<hbm>> -> memref<4096xf32, #tpu.memory_space<hbm>>
          %dma_wait3A_82 = tpu.memref_slice %arg8[%run_scoped3A, %select_n3A_9, %mul3A_74] : memref<33x16x16384xf32, #tpu.memory_space<hbm>> -> memref<1x1x4096xf32, #tpu.memory_space<hbm>>
          %dma_wait3A_83 = tpu.memref_squeeze %dma_wait3A_82 : memref<1x1x4096xf32, #tpu.memory_space<hbm>> -> memref<4096xf32, #tpu.memory_space<hbm>>
          tpu.wait_dma2 semaphore(%run_scoped3A_75 : memref<!tpu.dma_semaphore, #tpu.memory_space<semaphore_mem>>) src(%arg11 : memref<4096xf32, #tpu.memory_space<vmem>>) dst(%dma_wait3A_83 : memref<4096xf32, #tpu.memory_space<hbm>>)
          tpu.yield
        }) : () -> ()
      }
      %scan3A_32 = arith.constant 4 : i32
      "tpu.region"() ({
        %run_scoped3A = tpu.sem_alloc : memref<!tpu.dma_semaphore, #tpu.memory_space<semaphore_mem>>
        tpu.enqueue_dma source(%arg2 : memref<16384xi32, #tpu.memory_space<hbm>>) target(%arg10 : memref<16384xi32, #tpu.memory_space<vmem>>) target_semaphore(%run_scoped3A : memref<!tpu.dma_semaphore, #tpu.memory_space<semaphore_mem>>)
        tpu.wait_dma2 semaphore(%run_scoped3A : memref<!tpu.dma_semaphore, #tpu.memory_space<semaphore_mem>>) src(%arg2 : memref<16384xi32, #tpu.memory_space<hbm>>) dst(%arg10 : memref<16384xi32, #tpu.memory_space<vmem>>)
        tpu.yield
      }) : () -> ()
      %dma_start3A = arith.constant 1 : i32
      %dma_start3A_33 = arith.constant 0 : i32
      %dma_start3A_34 = tpu.memref_slice %arg8[%dma_start3A, %select_n3A_9, %dma_start3A_33] : memref<33x16x16384xf32, #tpu.memory_space<hbm>> -> memref<1x1x4096xf32, #tpu.memory_space<hbm>>
      %dma_start3A_35 = tpu.memref_squeeze %dma_start3A_34 : memref<1x1x4096xf32, #tpu.memory_space<hbm>> -> memref<4096xf32, #tpu.memory_space<hbm>>
      %dma_start3A_36 = arith.constant 0 : i32
      %dma_start3A_37 = tpu.memref_slice %arg8[%dma_start3A, %select_n3A_9, %dma_start3A_36] : memref<33x16x16384xf32, #tpu.memory_space<hbm>> -> memref<1x1x4096xf32, #tpu.memory_space<hbm>>
      %dma_start3A_38 = tpu.memref_squeeze %dma_start3A_37 : memref<1x1x4096xf32, #tpu.memory_space<hbm>> -> memref<4096xf32, #tpu.memory_space<hbm>>
      tpu.enqueue_dma source(%arg11 : memref<4096xf32, #tpu.memory_space<vmem>>) target(%dma_start3A_38 : memref<4096xf32, #tpu.memory_space<hbm>>) target_semaphore(%arg16 : memref<!tpu.dma_semaphore, #tpu.memory_space<semaphore_mem>>)
      %dma_start3A_39 = arith.constant 1 : i32
      %dma_start3A_40 = arith.constant 4096 : i32
      %dma_start3A_41 = tpu.memref_slice %arg8[%dma_start3A_39, %select_n3A_9, %dma_start3A_40] : memref<33x16x16384xf32, #tpu.memory_space<hbm>> -> memref<1x1x4096xf32, #tpu.memory_space<hbm>>
      %dma_start3A_42 = tpu.memref_squeeze %dma_start3A_41 : memref<1x1x4096xf32, #tpu.memory_space<hbm>> -> memref<4096xf32, #tpu.memory_space<hbm>>
      %dma_start3A_43 = arith.constant 4096 : i32
      %dma_start3A_44 = tpu.memref_slice %arg8[%dma_start3A_39, %select_n3A_9, %dma_start3A_43] : memref<33x16x16384xf32, #tpu.memory_space<hbm>> -> memref<1x1x4096xf32, #tpu.memory_space<hbm>>
      %dma_start3A_45 = tpu.memref_squeeze %dma_start3A_44 : memref<1x1x4096xf32, #tpu.memory_space<hbm>> -> memref<4096xf32, #tpu.memory_space<hbm>>
      tpu.enqueue_dma source(%arg12 : memref<4096xf32, #tpu.memory_space<vmem>>) target(%dma_start3A_45 : memref<4096xf32, #tpu.memory_space<hbm>>) target_semaphore(%arg16 : memref<!tpu.dma_semaphore, #tpu.memory_space<semaphore_mem>>)
      %dma_start3A_46 = arith.constant 0 : i32
      %dma_start3A_47 = arith.constant 0 : i32
      %dma_start3A_48 = tpu.memref_slice %arg4[%select_n3A_9, %dma_start3A_46, %dma_start3A_47] : memref<16x16x100000xf32, #tpu.memory_space<hbm>> -> memref<1x1x100000xf32, #tpu.memory_space<hbm>>
      %dma_start3A_49 = tpu.memref_squeeze %dma_start3A_48 : memref<1x1x100000xf32, #tpu.memory_space<hbm>> -> memref<100000xf32, #tpu.memory_space<hbm>>
      %dma_start3A_50 = arith.constant 0 : i32
      %dma_start3A_51 = tpu.memref_slice %arg4[%select_n3A_9, %dma_start3A_46, %dma_start3A_50] : memref<16x16x100000xf32, #tpu.memory_space<hbm>> -> memref<1x1x100000xf32, #tpu.memory_space<hbm>>
      %dma_start3A_52 = tpu.memref_squeeze %dma_start3A_51 : memref<1x1x100000xf32, #tpu.memory_space<hbm>> -> memref<100000xf32, #tpu.memory_space<hbm>>
      tpu.enqueue_dma source(%dma_start3A_52 : memref<100000xf32, #tpu.memory_space<hbm>>) target(%arg9 : memref<100000xf32, #tpu.memory_space<vmem>>) target_semaphore(%arg15 : memref<!tpu.dma_semaphore, #tpu.memory_space<semaphore_mem>>)
      %scan3A_53 = arith.constant 0 : i32
      %scan3A_54 = arith.constant 0 : i32
      %scan3A_55 = arith.constant 16 : i32
      %scan3A_56 = arith.addi %scan3A_54, %scan3A_55 : i32
      %scan3A_57 = arith.constant 1 : i32
      scf.for %scan3A_72 = %scan3A_54 to %scan3A_56 step %scan3A_57  : i32 {
        %dma_wait3A_73 = arith.constant 0 : i32
        %dma_wait3A_74 = arith.constant 0 : i32
        %dma_wait3A_75 = tpu.memref_slice %arg4[%select_n3A_9, %dma_wait3A_73, %dma_wait3A_74] : memref<16x16x100000xf32, #tpu.memory_space<hbm>> -> memref<1x1x100000xf32, #tpu.memory_space<hbm>>
        %dma_wait3A_76 = tpu.memref_squeeze %dma_wait3A_75 : memref<1x1x100000xf32, #tpu.memory_space<hbm>> -> memref<100000xf32, #tpu.memory_space<hbm>>
        %dma_wait3A_77 = arith.constant 0 : i32
        %dma_wait3A_78 = tpu.memref_slice %arg4[%select_n3A_9, %dma_wait3A_73, %dma_wait3A_77] : memref<16x16x100000xf32, #tpu.memory_space<hbm>> -> memref<1x1x100000xf32, #tpu.memory_space<hbm>>
        %dma_wait3A_79 = tpu.memref_squeeze %dma_wait3A_78 : memref<1x1x100000xf32, #tpu.memory_space<hbm>> -> memref<100000xf32, #tpu.memory_space<hbm>>
        tpu.wait_dma2 semaphore(%arg15 : memref<!tpu.dma_semaphore, #tpu.memory_space<semaphore_mem>>) src(%dma_wait3A_79 : memref<100000xf32, #tpu.memory_space<hbm>>) dst(%arg9 : memref<100000xf32, #tpu.memory_space<vmem>>)
        %add3A_80 = arith.constant 1 : i32
        %add3A_81 = arith.addi %add3A_80, %scan3A_72 : i32
        %broadcast_in_dim3A_82 = arith.constant 0 : i32
        %broadcast_in_dim3A_83 = vector.broadcast %broadcast_in_dim3A_82 : i32 to vector<16xi32>
        %mul3A_84 = arith.constant 16 : i32
        %mul3A_85 = arith.muli %add3A_81, %mul3A_84 : i32
        %add3A_86 = arith.addi %mul3A_85, %select_n3A_9 : i32
        %add3A_87 = vector.broadcast %add3A_86 : i32 to vector<16xi32>
        %add3A_88 = arith.addi %broadcast_in_dim3A_83, %add3A_87 : vector<16xi32>
        %gather3A_89 = tpu.vector_load_idx %arg13[%add3A_88] : memref<528xf32, #tpu.memory_space<vmem>>[vector<16xi32>], vector<16xf32>,
        %dma_wait3A_90 = arith.constant 1 : i32
        %dma_wait3A_91 = arith.constant 0 : i32
        %dma_wait3A_92 = tpu.memref_slice %arg8[%dma_wait3A_90, %select_n3A_9, %dma_wait3A_91] : memref<33x16x16384xf32, #tpu.memory_space<hbm>> -> memref<1x1x4096xf32, #tpu.memory_space<hbm>>
        %dma_wait3A_93 = tpu.memref_squeeze %dma_wait3A_92 : memref<1x1x4096xf32, #tpu.memory_space<hbm>> -> memref<4096xf32, #tpu.memory_space<hbm>>
        %dma_wait3A_94 = arith.constant 0 : i32
        %dma_wait3A_95 = tpu.memref_slice %arg8[%dma_wait3A_90, %select_n3A_9, %dma_wait3A_94] : memref<33x16x16384xf32, #tpu.memory_space<hbm>> -> memref<1x1x4096xf32, #tpu.memory_space<hbm>>
        %dma_wait3A_96 = tpu.memref_squeeze %dma_wait3A_95 : memref<1x1x4096xf32, #tpu.memory_space<hbm>> -> memref<4096xf32, #tpu.memory_space<hbm>>
        tpu.wait_dma2 semaphore(%arg16 : memref<!tpu.dma_semaphore, #tpu.memory_space<semaphore_mem>>) src(%dma_wait3A_96 : memref<4096xf32, #tpu.memory_space<hbm>>) dst(%arg11 : memref<4096xf32, #tpu.memory_space<vmem>>)
        %parallel_loop3A = arith.constant 0 : i32
        %parallel_loop3A_97 = arith.constant 4096 : i32
        %parallel_loop3A_98 = arith.constant 16 : i32
        scf.for %parallel_loop3A_160 = %parallel_loop3A to %parallel_loop3A_97 step %parallel_loop3A_98  : i32 {
          %parallel_loop3A_161 = arith.constant 0 : i32
          %parallel_loop3A_162 = arith.addi %parallel_loop3A_161, %parallel_loop3A_160 : i32
          %parallel_loop3A_163 = arith.index_cast %parallel_loop3A_162 : i32 to index
          %parallel_loop3A_164 = tpu.vector_load %arg10[%parallel_loop3A_163] {strides = array<i32>} : memref<16384xi32, #tpu.memory_space<vmem>>, vector<16xi32>,
          %parallel_loop3A_165 = tpu.vector_load_idx %arg9[%parallel_loop3A_164] : memref<100000xf32, #tpu.memory_space<vmem>>[vector<16xi32>], vector<16xf32>,
          %parallel_loop3A_166 = arith.addf %parallel_loop3A_165, %gather3A_89 : vector<16xf32>
          %parallel_loop3A_167 = arith.index_cast %parallel_loop3A_160 : i32 to index
          %parallel_loop3A_168 = tpu.vector_load %arg11[%parallel_loop3A_167] {strides = array<i32>} : memref<4096xf32, #tpu.memory_space<vmem>>, vector<16xf32>,
          tpu.vector_store %arg11[%parallel_loop3A_167], %parallel_loop3A_166 {strides = array<i32>} : memref<4096xf32, #tpu.memory_space<vmem>>, vector<16xf32>,
        } {sc.loop_unroll_factor = 8 : i64, sc.parallel_access}
        %dma_start3A_99 = arith.constant 0 : i32
        %dma_start3A_100 = tpu.memref_slice %arg8[%add3A_81, %select_n3A_9, %dma_start3A_99] : memref<33x16x16384xf32, #tpu.memory_space<hbm>> -> memref<1x1x4096xf32, #tpu.memory_space<hbm>>
        %dma_start3A_101 = tpu.memref_squeeze %dma_start3A_100 : memref<1x1x4096xf32, #tpu.memory_space<hbm>> -> memref<4096xf32, #tpu.memory_space<hbm>>
        %dma_start3A_102 = arith.constant 0 : i32
        %dma_start3A_103 = tpu.memref_slice %arg8[%add3A_81, %select_n3A_9, %dma_start3A_102] : memref<33x16x16384xf32, #tpu.memory_space<hbm>> -> memref<1x1x4096xf32, #tpu.memory_space<hbm>>
        %dma_start3A_104 = tpu.memref_squeeze %dma_start3A_103 : memref<1x1x4096xf32, #tpu.memory_space<hbm>> -> memref<4096xf32, #tpu.memory_space<hbm>>
        tpu.enqueue_dma source(%arg11 : memref<4096xf32, #tpu.memory_space<vmem>>) target(%dma_start3A_104 : memref<4096xf32, #tpu.memory_space<hbm>>) target_semaphore(%arg16 : memref<!tpu.dma_semaphore, #tpu.memory_space<semaphore_mem>>)
        %dma_wait3A_105 = arith.constant 1 : i32
        %dma_wait3A_106 = arith.constant 0 : i32
        %dma_wait3A_107 = tpu.memref_slice %arg8[%dma_wait3A_105, %select_n3A_9, %dma_wait3A_106] : memref<33x16x16384xf32, #tpu.memory_space<hbm>> -> memref<1x1x4096xf32, #tpu.memory_space<hbm>>
        %dma_wait3A_108 = tpu.memref_squeeze %dma_wait3A_107 : memref<1x1x4096xf32, #tpu.memory_space<hbm>> -> memref<4096xf32, #tpu.memory_space<hbm>>
        %dma_wait3A_109 = arith.constant 0 : i32
        %dma_wait3A_110 = tpu.memref_slice %arg8[%dma_wait3A_105, %select_n3A_9, %dma_wait3A_109] : memref<33x16x16384xf32, #tpu.memory_space<hbm>> -> memref<1x1x4096xf32, #tpu.memory_space<hbm>>
        %dma_wait3A_111 = tpu.memref_squeeze %dma_wait3A_110 : memref<1x1x4096xf32, #tpu.memory_space<hbm>> -> memref<4096xf32, #tpu.memory_space<hbm>>
        tpu.wait_dma2 semaphore(%arg16 : memref<!tpu.dma_semaphore, #tpu.memory_space<semaphore_mem>>) src(%dma_wait3A_111 : memref<4096xf32, #tpu.memory_space<hbm>>) dst(%arg12 : memref<4096xf32, #tpu.memory_space<vmem>>)
        %parallel_loop3A_112 = arith.constant 0 : i32
        %parallel_loop3A_113 = arith.constant 4096 : i32
        %parallel_loop3A_114 = arith.constant 16 : i32
        scf.for %parallel_loop3A_160 = %parallel_loop3A_112 to %parallel_loop3A_113 step %parallel_loop3A_114  : i32 {
          %parallel_loop3A_161 = arith.constant 4096 : i32
          %parallel_loop3A_162 = arith.addi %parallel_loop3A_161, %parallel_loop3A_160 : i32
          %parallel_loop3A_163 = arith.index_cast %parallel_loop3A_162 : i32 to index
          %parallel_loop3A_164 = tpu.vector_load %arg10[%parallel_loop3A_163] {strides = array<i32>} : memref<16384xi32, #tpu.memory_space<vmem>>, vector<16xi32>,
          %parallel_loop3A_165 = tpu.vector_load_idx %arg9[%parallel_loop3A_164] : memref<100000xf32, #tpu.memory_space<vmem>>[vector<16xi32>], vector<16xf32>,
          %parallel_loop3A_166 = arith.addf %parallel_loop3A_165, %gather3A_89 : vector<16xf32>
          %parallel_loop3A_167 = arith.index_cast %parallel_loop3A_160 : i32 to index
          %parallel_loop3A_168 = tpu.vector_load %arg12[%parallel_loop3A_167] {strides = array<i32>} : memref<4096xf32, #tpu.memory_space<vmem>>, vector<16xf32>,
          tpu.vector_store %arg12[%parallel_loop3A_167], %parallel_loop3A_166 {strides = array<i32>} : memref<4096xf32, #tpu.memory_space<vmem>>, vector<16xf32>,
        } {sc.loop_unroll_factor = 8 : i64, sc.parallel_access}
        %dma_start3A_115 = arith.constant 4096 : i32
        %dma_start3A_116 = tpu.memref_slice %arg8[%add3A_81, %select_n3A_9, %dma_start3A_115] : memref<33x16x16384xf32, #tpu.memory_space<hbm>> -> memref<1x1x4096xf32, #tpu.memory_space<hbm>>
        %dma_start3A_117 = tpu.memref_squeeze %dma_start3A_116 : memref<1x1x4096xf32, #tpu.memory_space<hbm>> -> memref<4096xf32, #tpu.memory_space<hbm>>
        %dma_start3A_118 = arith.constant 4096 : i32
        %dma_start3A_119 = tpu.memref_slice %arg8[%add3A_81, %select_n3A_9, %dma_start3A_118] : memref<33x16x16384xf32, #tpu.memory_space<hbm>> -> memref<1x1x4096xf32, #tpu.memory_space<hbm>>
        %dma_start3A_120 = tpu.memref_squeeze %dma_start3A_119 : memref<1x1x4096xf32, #tpu.memory_space<hbm>> -> memref<4096xf32, #tpu.memory_space<hbm>>
        tpu.enqueue_dma source(%arg12 : memref<4096xf32, #tpu.memory_space<vmem>>) target(%dma_start3A_120 : memref<4096xf32, #tpu.memory_space<hbm>>) target_semaphore(%arg16 : memref<!tpu.dma_semaphore, #tpu.memory_space<semaphore_mem>>)
        %dma_wait3A_121 = arith.constant 1 : i32
        %dma_wait3A_122 = arith.constant 0 : i32
        %dma_wait3A_123 = tpu.memref_slice %arg8[%dma_wait3A_121, %select_n3A_9, %dma_wait3A_122] : memref<33x16x16384xf32, #tpu.memory_space<hbm>> -> memref<1x1x4096xf32, #tpu.memory_space<hbm>>
        %dma_wait3A_124 = tpu.memref_squeeze %dma_wait3A_123 : memref<1x1x4096xf32, #tpu.memory_space<hbm>> -> memref<4096xf32, #tpu.memory_space<hbm>>
        %dma_wait3A_125 = arith.constant 0 : i32
        %dma_wait3A_126 = tpu.memref_slice %arg8[%dma_wait3A_121, %select_n3A_9, %dma_wait3A_125] : memref<33x16x16384xf32, #tpu.memory_space<hbm>> -> memref<1x1x4096xf32, #tpu.memory_space<hbm>>
        %dma_wait3A_127 = tpu.memref_squeeze %dma_wait3A_126 : memref<1x1x4096xf32, #tpu.memory_space<hbm>> -> memref<4096xf32, #tpu.memory_space<hbm>>
        tpu.wait_dma2 semaphore(%arg16 : memref<!tpu.dma_semaphore, #tpu.memory_space<semaphore_mem>>) src(%dma_wait3A_127 : memref<4096xf32, #tpu.memory_space<hbm>>) dst(%arg11 : memref<4096xf32, #tpu.memory_space<vmem>>)
        %parallel_loop3A_128 = arith.constant 0 : i32
        %parallel_loop3A_129 = arith.constant 4096 : i32
        %parallel_loop3A_130 = arith.constant 16 : i32
        scf.for %parallel_loop3A_160 = %parallel_loop3A_128 to %parallel_loop3A_129 step %parallel_loop3A_130  : i32 {
          %parallel_loop3A_161 = arith.constant 8192 : i32
          %parallel_loop3A_162 = arith.addi %parallel_loop3A_161, %parallel_loop3A_160 : i32
          %parallel_loop3A_163 = arith.index_cast %parallel_loop3A_162 : i32 to index
          %parallel_loop3A_164 = tpu.vector_load %arg10[%parallel_loop3A_163] {strides = array<i32>} : memref<16384xi32, #tpu.memory_space<vmem>>, vector<16xi32>,
          %parallel_loop3A_165 = tpu.vector_load_idx %arg9[%parallel_loop3A_164] : memref<100000xf32, #tpu.memory_space<vmem>>[vector<16xi32>], vector<16xf32>,
          %parallel_loop3A_166 = arith.addf %parallel_loop3A_165, %gather3A_89 : vector<16xf32>
          %parallel_loop3A_167 = arith.index_cast %parallel_loop3A_160 : i32 to index
          %parallel_loop3A_168 = tpu.vector_load %arg11[%parallel_loop3A_167] {strides = array<i32>} : memref<4096xf32, #tpu.memory_space<vmem>>, vector<16xf32>,
          tpu.vector_store %arg11[%parallel_loop3A_167], %parallel_loop3A_166 {strides = array<i32>} : memref<4096xf32, #tpu.memory_space<vmem>>, vector<16xf32>,
        } {sc.loop_unroll_factor = 8 : i64, sc.parallel_access}
        %dma_start3A_131 = arith.constant 8192 : i32
        %dma_start3A_132 = tpu.memref_slice %arg8[%add3A_81, %select_n3A_9, %dma_start3A_131] : memref<33x16x16384xf32, #tpu.memory_space<hbm>> -> memref<1x1x4096xf32, #tpu.memory_space<hbm>>
        %dma_start3A_133 = tpu.memref_squeeze %dma_start3A_132 : memref<1x1x4096xf32, #tpu.memory_space<hbm>> -> memref<4096xf32, #tpu.memory_space<hbm>>
        %dma_start3A_134 = arith.constant 8192 : i32
        %dma_start3A_135 = tpu.memref_slice %arg8[%add3A_81, %select_n3A_9, %dma_start3A_134] : memref<33x16x16384xf32, #tpu.memory_space<hbm>> -> memref<1x1x4096xf32, #tpu.memory_space<hbm>>
        %dma_start3A_136 = tpu.memref_squeeze %dma_start3A_135 : memref<1x1x4096xf32, #tpu.memory_space<hbm>> -> memref<4096xf32, #tpu.memory_space<hbm>>
        tpu.enqueue_dma source(%arg11 : memref<4096xf32, #tpu.memory_space<vmem>>) target(%dma_start3A_136 : memref<4096xf32, #tpu.memory_space<hbm>>) target_semaphore(%arg16 : memref<!tpu.dma_semaphore, #tpu.memory_space<semaphore_mem>>)
        %dma_wait3A_137 = arith.constant 1 : i32
        %dma_wait3A_138 = arith.constant 0 : i32
        %dma_wait3A_139 = tpu.memref_slice %arg8[%dma_wait3A_137, %select_n3A_9, %dma_wait3A_138] : memref<33x16x16384xf32, #tpu.memory_space<hbm>> -> memref<1x1x4096xf32, #tpu.memory_space<hbm>>
        %dma_wait3A_140 = tpu.memref_squeeze %dma_wait3A_139 : memref<1x1x4096xf32, #tpu.memory_space<hbm>> -> memref<4096xf32, #tpu.memory_space<hbm>>
        %dma_wait3A_141 = arith.constant 0 : i32
        %dma_wait3A_142 = tpu.memref_slice %arg8[%dma_wait3A_137, %select_n3A_9, %dma_wait3A_141] : memref<33x16x16384xf32, #tpu.memory_space<hbm>> -> memref<1x1x4096xf32, #tpu.memory_space<hbm>>
        %dma_wait3A_143 = tpu.memref_squeeze %dma_wait3A_142 : memref<1x1x4096xf32, #tpu.memory_space<hbm>> -> memref<4096xf32, #tpu.memory_space<hbm>>
        tpu.wait_dma2 semaphore(%arg16 : memref<!tpu.dma_semaphore, #tpu.memory_space<semaphore_mem>>) src(%dma_wait3A_143 : memref<4096xf32, #tpu.memory_space<hbm>>) dst(%arg12 : memref<4096xf32, #tpu.memory_space<vmem>>)
        %parallel_loop3A_144 = arith.constant 0 : i32
        %parallel_loop3A_145 = arith.constant 4096 : i32
        %parallel_loop3A_146 = arith.constant 16 : i32
        scf.for %parallel_loop3A_160 = %parallel_loop3A_144 to %parallel_loop3A_145 step %parallel_loop3A_146  : i32 {
          %parallel_loop3A_161 = arith.constant 12288 : i32
          %parallel_loop3A_162 = arith.addi %parallel_loop3A_161, %parallel_loop3A_160 : i32
          %parallel_loop3A_163 = arith.index_cast %parallel_loop3A_162 : i32 to index
          %parallel_loop3A_164 = tpu.vector_load %arg10[%parallel_loop3A_163] {strides = array<i32>} : memref<16384xi32, #tpu.memory_space<vmem>>, vector<16xi32>,
          %parallel_loop3A_165 = tpu.vector_load_idx %arg9[%parallel_loop3A_164] : memref<100000xf32, #tpu.memory_space<vmem>>[vector<16xi32>], vector<16xf32>,
          %parallel_loop3A_166 = arith.addf %parallel_loop3A_165, %gather3A_89 : vector<16xf32>
          %parallel_loop3A_167 = arith.index_cast %parallel_loop3A_160 : i32 to index
          %parallel_loop3A_168 = tpu.vector_load %arg12[%parallel_loop3A_167] {strides = array<i32>} : memref<4096xf32, #tpu.memory_space<vmem>>, vector<16xf32>,
          tpu.vector_store %arg12[%parallel_loop3A_167], %parallel_loop3A_166 {strides = array<i32>} : memref<4096xf32, #tpu.memory_space<vmem>>, vector<16xf32>,
        } {sc.loop_unroll_factor = 8 : i64, sc.parallel_access}
        %dma_start3A_147 = arith.constant 12288 : i32
        %dma_start3A_148 = tpu.memref_slice %arg8[%add3A_81, %select_n3A_9, %dma_start3A_147] : memref<33x16x16384xf32, #tpu.memory_space<hbm>> -> memref<1x1x4096xf32, #tpu.memory_space<hbm>>
        %dma_start3A_149 = tpu.memref_squeeze %dma_start3A_148 : memref<1x1x4096xf32, #tpu.memory_space<hbm>> -> memref<4096xf32, #tpu.memory_space<hbm>>
        %dma_start3A_150 = arith.constant 12288 : i32
        %dma_start3A_151 = tpu.memref_slice %arg8[%add3A_81, %select_n3A_9, %dma_start3A_150] : memref<33x16x16384xf32, #tpu.memory_space<hbm>> -> memref<1x1x4096xf32, #tpu.memory_space<hbm>>
        %dma_start3A_152 = tpu.memref_squeeze %dma_start3A_151 : memref<1x1x4096xf32, #tpu.memory_space<hbm>> -> memref<4096xf32, #tpu.memory_space<hbm>>
        tpu.enqueue_dma source(%arg12 : memref<4096xf32, #tpu.memory_space<vmem>>) target(%dma_start3A_152 : memref<4096xf32, #tpu.memory_space<hbm>>) target_semaphore(%arg16 : memref<!tpu.dma_semaphore, #tpu.memory_space<semaphore_mem>>)
        %add3A_153 = arith.constant 1 : i32
        %add3A_154 = arith.addi %scan3A_72, %add3A_153 : i32
        %lt3A_155 = arith.constant 16 : i32
        %lt3A_156 = arith.cmpi slt, %add3A_154, %lt3A_155 : i32
        %convert_element_type3A_157 = arith.extui %lt3A_156 : i1 to i32
        %cond3A_158 = arith.constant 0 : i32
        %cond3A_159 = arith.cmpi ne, %convert_element_type3A_157, %cond3A_158 : i32
        scf.if %cond3A_159 {
          %add3A_160 = arith.constant 1 : i32
          %add3A_161 = arith.addi %scan3A_72, %add3A_160 : i32
          %dma_start3A_162 = arith.constant 0 : i32
          %dma_start3A_163 = tpu.memref_slice %arg4[%select_n3A_9, %add3A_161, %dma_start3A_162] : memref<16x16x100000xf32, #tpu.memory_space<hbm>> -> memref<1x1x100000xf32, #tpu.memory_space<hbm>>
          %dma_start3A_164 = tpu.memref_squeeze %dma_start3A_163 : memref<1x1x100000xf32, #tpu.memory_space<hbm>> -> memref<100000xf32, #tpu.memory_space<hbm>>
          %dma_start3A_165 = arith.constant 0 : i32
          %dma_start3A_166 = tpu.memref_slice %arg4[%select_n3A_9, %add3A_161, %dma_start3A_165] : memref<16x16x100000xf32, #tpu.memory_space<hbm>> -> memref<1x1x100000xf32, #tpu.memory_space<hbm>>
          %dma_start3A_167 = tpu.memref_squeeze %dma_start3A_166 : memref<1x1x100000xf32, #tpu.memory_space<hbm>> -> memref<100000xf32, #tpu.memory_space<hbm>>
          tpu.enqueue_dma source(%dma_start3A_167 : memref<100000xf32, #tpu.memory_space<hbm>>) target(%arg9 : memref<100000xf32, #tpu.memory_space<vmem>>) target_semaphore(%arg15 : memref<!tpu.dma_semaphore, #tpu.memory_space<semaphore_mem>>)
        } else {
        }
      }
      %scan3A_58 = arith.constant 16 : i32
      %dma_wait3A = arith.constant 1 : i32
      %dma_wait3A_59 = arith.constant 0 : i32
      %dma_wait3A_60 = tpu.memref_slice %arg8[%dma_wait3A, %select_n3A_9, %dma_wait3A_59] : memref<33x16x16384xf32, #tpu.memory_space<hbm>> -> memref<1x1x4096xf32, #tpu.memory_space<hbm>>
      %dma_wait3A_61 = tpu.memref_squeeze %dma_wait3A_60 : memref<1x1x4096xf32, #tpu.memory_space<hbm>> -> memref<4096xf32, #tpu.memory_space<hbm>>
      %dma_wait3A_62 = arith.constant 0 : i32
      %dma_wait3A_63 = tpu.memref_slice %arg8[%dma_wait3A, %select_n3A_9, %dma_wait3A_62] : memref<33x16x16384xf32, #tpu.memory_space<hbm>> -> memref<1x1x4096xf32, #tpu.memory_space<hbm>>
      %dma_wait3A_64 = tpu.memref_squeeze %dma_wait3A_63 : memref<1x1x4096xf32, #tpu.memory_space<hbm>> -> memref<4096xf32, #tpu.memory_space<hbm>>
      tpu.wait_dma2 semaphore(%arg16 : memref<!tpu.dma_semaphore, #tpu.memory_space<semaphore_mem>>) src(%dma_wait3A_64 : memref<4096xf32, #tpu.memory_space<hbm>>) dst(%arg11 : memref<4096xf32, #tpu.memory_space<vmem>>)
      %dma_wait3A_65 = arith.constant 1 : i32
      %dma_wait3A_66 = arith.constant 0 : i32
      %dma_wait3A_67 = tpu.memref_slice %arg8[%dma_wait3A_65, %select_n3A_9, %dma_wait3A_66] : memref<33x16x16384xf32, #tpu.memory_space<hbm>> -> memref<1x1x4096xf32, #tpu.memory_space<hbm>>
      %dma_wait3A_68 = tpu.memref_squeeze %dma_wait3A_67 : memref<1x1x4096xf32, #tpu.memory_space<hbm>> -> memref<4096xf32, #tpu.memory_space<hbm>>
      %dma_wait3A_69 = arith.constant 0 : i32
      %dma_wait3A_70 = tpu.memref_slice %arg8[%dma_wait3A_65, %select_n3A_9, %dma_wait3A_69] : memref<33x16x16384xf32, #tpu.memory_space<hbm>> -> memref<1x1x4096xf32, #tpu.memory_space<hbm>>
      %dma_wait3A_71 = tpu.memref_squeeze %dma_wait3A_70 : memref<1x1x4096xf32, #tpu.memory_space<hbm>> -> memref<4096xf32, #tpu.memory_space<hbm>>
      tpu.wait_dma2 semaphore(%arg16 : memref<!tpu.dma_semaphore, #tpu.memory_space<semaphore_mem>>) src(%dma_wait3A_71 : memref<4096xf32, #tpu.memory_space<hbm>>) dst(%arg12 : memref<4096xf32, #tpu.memory_space<vmem>>)
    } else {
    }
    %ge3A = arith.constant 16 : i32
    %ge3A_13 = arith.cmpi sge, %add3A, %ge3A : i32
    %convert_element_type3A_14 = arith.extui %ge3A_13 : i1 to i32
    %cond3A_15 = arith.constant 0 : i32
    %cond3A_16 = arith.cmpi ne, %convert_element_type3A_14, %cond3A_15 : i32
    scf.if %cond3A_16 {
      "tpu.region"() ({
        %run_scoped3A = tpu.sem_alloc : memref<!tpu.dma_semaphore, #tpu.memory_space<semaphore_mem>>
        tpu.enqueue_dma source(%arg3 : memref<16384xi32, #tpu.memory_space<hbm>>) target(%arg10 : memref<16384xi32, #tpu.memory_space<vmem>>) target_semaphore(%run_scoped3A : memref<!tpu.dma_semaphore, #tpu.memory_space<semaphore_mem>>)
        tpu.wait_dma2 semaphore(%run_scoped3A : memref<!tpu.dma_semaphore, #tpu.memory_space<semaphore_mem>>) src(%arg3 : memref<16384xi32, #tpu.memory_space<hbm>>) dst(%arg10 : memref<16384xi32, #tpu.memory_space<vmem>>)
        tpu.yield
      }) : () -> ()
      %dma_start3A = arith.constant 17 : i32
      %dma_start3A_17 = arith.constant 0 : i32
      %dma_start3A_18 = tpu.memref_slice %arg8[%dma_start3A, %select_n3A_9, %dma_start3A_17] : memref<33x16x16384xf32, #tpu.memory_space<hbm>> -> memref<1x1x4096xf32, #tpu.memory_space<hbm>>
      %dma_start3A_19 = tpu.memref_squeeze %dma_start3A_18 : memref<1x1x4096xf32, #tpu.memory_space<hbm>> -> memref<4096xf32, #tpu.memory_space<hbm>>
      %dma_start3A_20 = arith.constant 0 : i32
      %dma_start3A_21 = tpu.memref_slice %arg8[%dma_start3A, %select_n3A_9, %dma_start3A_20] : memref<33x16x16384xf32, #tpu.memory_space<hbm>> -> memref<1x1x4096xf32, #tpu.memory_space<hbm>>
      %dma_start3A_22 = tpu.memref_squeeze %dma_start3A_21 : memref<1x1x4096xf32, #tpu.memory_space<hbm>> -> memref<4096xf32, #tpu.memory_space<hbm>>
      tpu.enqueue_dma source(%arg11 : memref<4096xf32, #tpu.memory_space<vmem>>) target(%dma_start3A_22 : memref<4096xf32, #tpu.memory_space<hbm>>) target_semaphore(%arg16 : memref<!tpu.dma_semaphore, #tpu.memory_space<semaphore_mem>>)
      %dma_start3A_23 = arith.constant 17 : i32
      %dma_start3A_24 = arith.constant 4096 : i32
      %dma_start3A_25 = tpu.memref_slice %arg8[%dma_start3A_23, %select_n3A_9, %dma_start3A_24] : memref<33x16x16384xf32, #tpu.memory_space<hbm>> -> memref<1x1x4096xf32, #tpu.memory_space<hbm>>
      %dma_start3A_26 = tpu.memref_squeeze %dma_start3A_25 : memref<1x1x4096xf32, #tpu.memory_space<hbm>> -> memref<4096xf32, #tpu.memory_space<hbm>>
      %dma_start3A_27 = arith.constant 4096 : i32
      %dma_start3A_28 = tpu.memref_slice %arg8[%dma_start3A_23, %select_n3A_9, %dma_start3A_27] : memref<33x16x16384xf32, #tpu.memory_space<hbm>> -> memref<1x1x4096xf32, #tpu.memory_space<hbm>>
      %dma_start3A_29 = tpu.memref_squeeze %dma_start3A_28 : memref<1x1x4096xf32, #tpu.memory_space<hbm>> -> memref<4096xf32, #tpu.memory_space<hbm>>
      tpu.enqueue_dma source(%arg12 : memref<4096xf32, #tpu.memory_space<vmem>>) target(%dma_start3A_29 : memref<4096xf32, #tpu.memory_space<hbm>>) target_semaphore(%arg16 : memref<!tpu.dma_semaphore, #tpu.memory_space<semaphore_mem>>)
      %dma_start3A_30 = arith.constant 0 : i32
      %dma_start3A_31 = arith.constant 0 : i32
      %dma_start3A_32 = tpu.memref_slice %arg5[%select_n3A_9, %dma_start3A_30, %dma_start3A_31] : memref<16x16x100000xf32, #tpu.memory_space<hbm>> -> memref<1x1x100000xf32, #tpu.memory_space<hbm>>
      %dma_start3A_33 = tpu.memref_squeeze %dma_start3A_32 : memref<1x1x100000xf32, #tpu.memory_space<hbm>> -> memref<100000xf32, #tpu.memory_space<hbm>>
      %dma_start3A_34 = arith.constant 0 : i32
      %dma_start3A_35 = tpu.memref_slice %arg5[%select_n3A_9, %dma_start3A_30, %dma_start3A_34] : memref<16x16x100000xf32, #tpu.memory_space<hbm>> -> memref<1x1x100000xf32, #tpu.memory_space<hbm>>
      %dma_start3A_36 = tpu.memref_squeeze %dma_start3A_35 : memref<1x1x100000xf32, #tpu.memory_space<hbm>> -> memref<100000xf32, #tpu.memory_space<hbm>>
      tpu.enqueue_dma source(%dma_start3A_36 : memref<100000xf32, #tpu.memory_space<hbm>>) target(%arg9 : memref<100000xf32, #tpu.memory_space<vmem>>) target_semaphore(%arg15 : memref<!tpu.dma_semaphore, #tpu.memory_space<semaphore_mem>>)
      %scan3A = arith.constant 0 : i32
      %scan3A_37 = arith.constant 0 : i32
      %scan3A_38 = arith.constant 16 : i32
      %scan3A_39 = arith.addi %scan3A_37, %scan3A_38 : i32
      %scan3A_40 = arith.constant 1 : i32
      scf.for %scan3A_55 = %scan3A_37 to %scan3A_39 step %scan3A_40  : i32 {
        %dma_wait3A_56 = arith.constant 0 : i32
        %dma_wait3A_57 = arith.constant 0 : i32
        %dma_wait3A_58 = tpu.memref_slice %arg5[%select_n3A_9, %dma_wait3A_56, %dma_wait3A_57] : memref<16x16x100000xf32, #tpu.memory_space<hbm>> -> memref<1x1x100000xf32, #tpu.memory_space<hbm>>
        %dma_wait3A_59 = tpu.memref_squeeze %dma_wait3A_58 : memref<1x1x100000xf32, #tpu.memory_space<hbm>> -> memref<100000xf32, #tpu.memory_space<hbm>>
        %dma_wait3A_60 = arith.constant 0 : i32
        %dma_wait3A_61 = tpu.memref_slice %arg5[%select_n3A_9, %dma_wait3A_56, %dma_wait3A_60] : memref<16x16x100000xf32, #tpu.memory_space<hbm>> -> memref<1x1x100000xf32, #tpu.memory_space<hbm>>
        %dma_wait3A_62 = tpu.memref_squeeze %dma_wait3A_61 : memref<1x1x100000xf32, #tpu.memory_space<hbm>> -> memref<100000xf32, #tpu.memory_space<hbm>>
        tpu.wait_dma2 semaphore(%arg15 : memref<!tpu.dma_semaphore, #tpu.memory_space<semaphore_mem>>) src(%dma_wait3A_62 : memref<100000xf32, #tpu.memory_space<hbm>>) dst(%arg9 : memref<100000xf32, #tpu.memory_space<vmem>>)
        %add3A_63 = arith.constant 17 : i32
        %add3A_64 = arith.addi %add3A_63, %scan3A_55 : i32
        %broadcast_in_dim3A = arith.constant 0 : i32
        %broadcast_in_dim3A_65 = vector.broadcast %broadcast_in_dim3A : i32 to vector<16xi32>
        %mul3A_66 = arith.constant 16 : i32
        %mul3A_67 = arith.muli %add3A_64, %mul3A_66 : i32
        %add3A_68 = arith.addi %mul3A_67, %select_n3A_9 : i32
        %add3A_69 = vector.broadcast %add3A_68 : i32 to vector<16xi32>
        %add3A_70 = arith.addi %broadcast_in_dim3A_65, %add3A_69 : vector<16xi32>
        %gather3A = tpu.vector_load_idx %arg13[%add3A_70] : memref<528xf32, #tpu.memory_space<vmem>>[vector<16xi32>], vector<16xf32>,
        %dma_wait3A_71 = arith.constant 17 : i32
        %dma_wait3A_72 = arith.constant 0 : i32
        %dma_wait3A_73 = tpu.memref_slice %arg8[%dma_wait3A_71, %select_n3A_9, %dma_wait3A_72] : memref<33x16x16384xf32, #tpu.memory_space<hbm>> -> memref<1x1x4096xf32, #tpu.memory_space<hbm>>
        %dma_wait3A_74 = tpu.memref_squeeze %dma_wait3A_73 : memref<1x1x4096xf32, #tpu.memory_space<hbm>> -> memref<4096xf32, #tpu.memory_space<hbm>>
        %dma_wait3A_75 = arith.constant 0 : i32
        %dma_wait3A_76 = tpu.memref_slice %arg8[%dma_wait3A_71, %select_n3A_9, %dma_wait3A_75] : memref<33x16x16384xf32, #tpu.memory_space<hbm>> -> memref<1x1x4096xf32, #tpu.memory_space<hbm>>
        %dma_wait3A_77 = tpu.memref_squeeze %dma_wait3A_76 : memref<1x1x4096xf32, #tpu.memory_space<hbm>> -> memref<4096xf32, #tpu.memory_space<hbm>>
        tpu.wait_dma2 semaphore(%arg16 : memref<!tpu.dma_semaphore, #tpu.memory_space<semaphore_mem>>) src(%dma_wait3A_77 : memref<4096xf32, #tpu.memory_space<hbm>>) dst(%arg11 : memref<4096xf32, #tpu.memory_space<vmem>>)
        %parallel_loop3A = arith.constant 0 : i32
        %parallel_loop3A_78 = arith.constant 4096 : i32
        %parallel_loop3A_79 = arith.constant 16 : i32
        scf.for %parallel_loop3A_141 = %parallel_loop3A to %parallel_loop3A_78 step %parallel_loop3A_79  : i32 {
          %parallel_loop3A_142 = arith.constant 0 : i32
          %parallel_loop3A_143 = arith.addi %parallel_loop3A_142, %parallel_loop3A_141 : i32
          %parallel_loop3A_144 = arith.index_cast %parallel_loop3A_143 : i32 to index
          %parallel_loop3A_145 = tpu.vector_load %arg10[%parallel_loop3A_144] {strides = array<i32>} : memref<16384xi32, #tpu.memory_space<vmem>>, vector<16xi32>,
          %parallel_loop3A_146 = tpu.vector_load_idx %arg9[%parallel_loop3A_145] : memref<100000xf32, #tpu.memory_space<vmem>>[vector<16xi32>], vector<16xf32>,
          %parallel_loop3A_147 = arith.addf %parallel_loop3A_146, %gather3A : vector<16xf32>
          %parallel_loop3A_148 = arith.index_cast %parallel_loop3A_141 : i32 to index
          %parallel_loop3A_149 = tpu.vector_load %arg11[%parallel_loop3A_148] {strides = array<i32>} : memref<4096xf32, #tpu.memory_space<vmem>>, vector<16xf32>,
          tpu.vector_store %arg11[%parallel_loop3A_148], %parallel_loop3A_147 {strides = array<i32>} : memref<4096xf32, #tpu.memory_space<vmem>>, vector<16xf32>,
        } {sc.loop_unroll_factor = 8 : i64, sc.parallel_access}
        %dma_start3A_80 = arith.constant 0 : i32
        %dma_start3A_81 = tpu.memref_slice %arg8[%add3A_64, %select_n3A_9, %dma_start3A_80] : memref<33x16x16384xf32, #tpu.memory_space<hbm>> -> memref<1x1x4096xf32, #tpu.memory_space<hbm>>
        %dma_start3A_82 = tpu.memref_squeeze %dma_start3A_81 : memref<1x1x4096xf32, #tpu.memory_space<hbm>> -> memref<4096xf32, #tpu.memory_space<hbm>>
        %dma_start3A_83 = arith.constant 0 : i32
        %dma_start3A_84 = tpu.memref_slice %arg8[%add3A_64, %select_n3A_9, %dma_start3A_83] : memref<33x16x16384xf32, #tpu.memory_space<hbm>> -> memref<1x1x4096xf32, #tpu.memory_space<hbm>>
        %dma_start3A_85 = tpu.memref_squeeze %dma_start3A_84 : memref<1x1x4096xf32, #tpu.memory_space<hbm>> -> memref<4096xf32, #tpu.memory_space<hbm>>
        tpu.enqueue_dma source(%arg11 : memref<4096xf32, #tpu.memory_space<vmem>>) target(%dma_start3A_85 : memref<4096xf32, #tpu.memory_space<hbm>>) target_semaphore(%arg16 : memref<!tpu.dma_semaphore, #tpu.memory_space<semaphore_mem>>)
        %dma_wait3A_86 = arith.constant 17 : i32
        %dma_wait3A_87 = arith.constant 0 : i32
        %dma_wait3A_88 = tpu.memref_slice %arg8[%dma_wait3A_86, %select_n3A_9, %dma_wait3A_87] : memref<33x16x16384xf32, #tpu.memory_space<hbm>> -> memref<1x1x4096xf32, #tpu.memory_space<hbm>>
        %dma_wait3A_89 = tpu.memref_squeeze %dma_wait3A_88 : memref<1x1x4096xf32, #tpu.memory_space<hbm>> -> memref<4096xf32, #tpu.memory_space<hbm>>
        %dma_wait3A_90 = arith.constant 0 : i32
        %dma_wait3A_91 = tpu.memref_slice %arg8[%dma_wait3A_86, %select_n3A_9, %dma_wait3A_90] : memref<33x16x16384xf32, #tpu.memory_space<hbm>> -> memref<1x1x4096xf32, #tpu.memory_space<hbm>>
        %dma_wait3A_92 = tpu.memref_squeeze %dma_wait3A_91 : memref<1x1x4096xf32, #tpu.memory_space<hbm>> -> memref<4096xf32, #tpu.memory_space<hbm>>
        tpu.wait_dma2 semaphore(%arg16 : memref<!tpu.dma_semaphore, #tpu.memory_space<semaphore_mem>>) src(%dma_wait3A_92 : memref<4096xf32, #tpu.memory_space<hbm>>) dst(%arg12 : memref<4096xf32, #tpu.memory_space<vmem>>)
        %parallel_loop3A_93 = arith.constant 0 : i32
        %parallel_loop3A_94 = arith.constant 4096 : i32
        %parallel_loop3A_95 = arith.constant 16 : i32
        scf.for %parallel_loop3A_141 = %parallel_loop3A_93 to %parallel_loop3A_94 step %parallel_loop3A_95  : i32 {
          %parallel_loop3A_142 = arith.constant 4096 : i32
          %parallel_loop3A_143 = arith.addi %parallel_loop3A_142, %parallel_loop3A_141 : i32
          %parallel_loop3A_144 = arith.index_cast %parallel_loop3A_143 : i32 to index
          %parallel_loop3A_145 = tpu.vector_load %arg10[%parallel_loop3A_144] {strides = array<i32>} : memref<16384xi32, #tpu.memory_space<vmem>>, vector<16xi32>,
          %parallel_loop3A_146 = tpu.vector_load_idx %arg9[%parallel_loop3A_145] : memref<100000xf32, #tpu.memory_space<vmem>>[vector<16xi32>], vector<16xf32>,
          %parallel_loop3A_147 = arith.addf %parallel_loop3A_146, %gather3A : vector<16xf32>
          %parallel_loop3A_148 = arith.index_cast %parallel_loop3A_141 : i32 to index
          %parallel_loop3A_149 = tpu.vector_load %arg12[%parallel_loop3A_148] {strides = array<i32>} : memref<4096xf32, #tpu.memory_space<vmem>>, vector<16xf32>,
          tpu.vector_store %arg12[%parallel_loop3A_148], %parallel_loop3A_147 {strides = array<i32>} : memref<4096xf32, #tpu.memory_space<vmem>>, vector<16xf32>,
        } {sc.loop_unroll_factor = 8 : i64, sc.parallel_access}
        %dma_start3A_96 = arith.constant 4096 : i32
        %dma_start3A_97 = tpu.memref_slice %arg8[%add3A_64, %select_n3A_9, %dma_start3A_96] : memref<33x16x16384xf32, #tpu.memory_space<hbm>> -> memref<1x1x4096xf32, #tpu.memory_space<hbm>>
        %dma_start3A_98 = tpu.memref_squeeze %dma_start3A_97 : memref<1x1x4096xf32, #tpu.memory_space<hbm>> -> memref<4096xf32, #tpu.memory_space<hbm>>
        %dma_start3A_99 = arith.constant 4096 : i32
        %dma_start3A_100 = tpu.memref_slice %arg8[%add3A_64, %select_n3A_9, %dma_start3A_99] : memref<33x16x16384xf32, #tpu.memory_space<hbm>> -> memref<1x1x4096xf32, #tpu.memory_space<hbm>>
        %dma_start3A_101 = tpu.memref_squeeze %dma_start3A_100 : memref<1x1x4096xf32, #tpu.memory_space<hbm>> -> memref<4096xf32, #tpu.memory_space<hbm>>
        tpu.enqueue_dma source(%arg12 : memref<4096xf32, #tpu.memory_space<vmem>>) target(%dma_start3A_101 : memref<4096xf32, #tpu.memory_space<hbm>>) target_semaphore(%arg16 : memref<!tpu.dma_semaphore, #tpu.memory_space<semaphore_mem>>)
        %dma_wait3A_102 = arith.constant 17 : i32
        %dma_wait3A_103 = arith.constant 0 : i32
        %dma_wait3A_104 = tpu.memref_slice %arg8[%dma_wait3A_102, %select_n3A_9, %dma_wait3A_103] : memref<33x16x16384xf32, #tpu.memory_space<hbm>> -> memref<1x1x4096xf32, #tpu.memory_space<hbm>>
        %dma_wait3A_105 = tpu.memref_squeeze %dma_wait3A_104 : memref<1x1x4096xf32, #tpu.memory_space<hbm>> -> memref<4096xf32, #tpu.memory_space<hbm>>
        %dma_wait3A_106 = arith.constant 0 : i32
        %dma_wait3A_107 = tpu.memref_slice %arg8[%dma_wait3A_102, %select_n3A_9, %dma_wait3A_106] : memref<33x16x16384xf32, #tpu.memory_space<hbm>> -> memref<1x1x4096xf32, #tpu.memory_space<hbm>>
        %dma_wait3A_108 = tpu.memref_squeeze %dma_wait3A_107 : memref<1x1x4096xf32, #tpu.memory_space<hbm>> -> memref<4096xf32, #tpu.memory_space<hbm>>
        tpu.wait_dma2 semaphore(%arg16 : memref<!tpu.dma_semaphore, #tpu.memory_space<semaphore_mem>>) src(%dma_wait3A_108 : memref<4096xf32, #tpu.memory_space<hbm>>) dst(%arg11 : memref<4096xf32, #tpu.memory_space<vmem>>)
        %parallel_loop3A_109 = arith.constant 0 : i32
        %parallel_loop3A_110 = arith.constant 4096 : i32
        %parallel_loop3A_111 = arith.constant 16 : i32
        scf.for %parallel_loop3A_141 = %parallel_loop3A_109 to %parallel_loop3A_110 step %parallel_loop3A_111  : i32 {
          %parallel_loop3A_142 = arith.constant 8192 : i32
          %parallel_loop3A_143 = arith.addi %parallel_loop3A_142, %parallel_loop3A_141 : i32
          %parallel_loop3A_144 = arith.index_cast %parallel_loop3A_143 : i32 to index
          %parallel_loop3A_145 = tpu.vector_load %arg10[%parallel_loop3A_144] {strides = array<i32>} : memref<16384xi32, #tpu.memory_space<vmem>>, vector<16xi32>,
          %parallel_loop3A_146 = tpu.vector_load_idx %arg9[%parallel_loop3A_145] : memref<100000xf32, #tpu.memory_space<vmem>>[vector<16xi32>], vector<16xf32>,
          %parallel_loop3A_147 = arith.addf %parallel_loop3A_146, %gather3A : vector<16xf32>
          %parallel_loop3A_148 = arith.index_cast %parallel_loop3A_141 : i32 to index
          %parallel_loop3A_149 = tpu.vector_load %arg11[%parallel_loop3A_148] {strides = array<i32>} : memref<4096xf32, #tpu.memory_space<vmem>>, vector<16xf32>,
          tpu.vector_store %arg11[%parallel_loop3A_148], %parallel_loop3A_147 {strides = array<i32>} : memref<4096xf32, #tpu.memory_space<vmem>>, vector<16xf32>,
        } {sc.loop_unroll_factor = 8 : i64, sc.parallel_access}
        %dma_start3A_112 = arith.constant 8192 : i32
        %dma_start3A_113 = tpu.memref_slice %arg8[%add3A_64, %select_n3A_9, %dma_start3A_112] : memref<33x16x16384xf32, #tpu.memory_space<hbm>> -> memref<1x1x4096xf32, #tpu.memory_space<hbm>>
        %dma_start3A_114 = tpu.memref_squeeze %dma_start3A_113 : memref<1x1x4096xf32, #tpu.memory_space<hbm>> -> memref<4096xf32, #tpu.memory_space<hbm>>
        %dma_start3A_115 = arith.constant 8192 : i32
        %dma_start3A_116 = tpu.memref_slice %arg8[%add3A_64, %select_n3A_9, %dma_start3A_115] : memref<33x16x16384xf32, #tpu.memory_space<hbm>> -> memref<1x1x4096xf32, #tpu.memory_space<hbm>>
        %dma_start3A_117 = tpu.memref_squeeze %dma_start3A_116 : memref<1x1x4096xf32, #tpu.memory_space<hbm>> -> memref<4096xf32, #tpu.memory_space<hbm>>
        tpu.enqueue_dma source(%arg11 : memref<4096xf32, #tpu.memory_space<vmem>>) target(%dma_start3A_117 : memref<4096xf32, #tpu.memory_space<hbm>>) target_semaphore(%arg16 : memref<!tpu.dma_semaphore, #tpu.memory_space<semaphore_mem>>)
        %dma_wait3A_118 = arith.constant 17 : i32
        %dma_wait3A_119 = arith.constant 0 : i32
        %dma_wait3A_120 = tpu.memref_slice %arg8[%dma_wait3A_118, %select_n3A_9, %dma_wait3A_119] : memref<33x16x16384xf32, #tpu.memory_space<hbm>> -> memref<1x1x4096xf32, #tpu.memory_space<hbm>>
        %dma_wait3A_121 = tpu.memref_squeeze %dma_wait3A_120 : memref<1x1x4096xf32, #tpu.memory_space<hbm>> -> memref<4096xf32, #tpu.memory_space<hbm>>
        %dma_wait3A_122 = arith.constant 0 : i32
        %dma_wait3A_123 = tpu.memref_slice %arg8[%dma_wait3A_118, %select_n3A_9, %dma_wait3A_122] : memref<33x16x16384xf32, #tpu.memory_space<hbm>> -> memref<1x1x4096xf32, #tpu.memory_space<hbm>>
        %dma_wait3A_124 = tpu.memref_squeeze %dma_wait3A_123 : memref<1x1x4096xf32, #tpu.memory_space<hbm>> -> memref<4096xf32, #tpu.memory_space<hbm>>
        tpu.wait_dma2 semaphore(%arg16 : memref<!tpu.dma_semaphore, #tpu.memory_space<semaphore_mem>>) src(%dma_wait3A_124 : memref<4096xf32, #tpu.memory_space<hbm>>) dst(%arg12 : memref<4096xf32, #tpu.memory_space<vmem>>)
        %parallel_loop3A_125 = arith.constant 0 : i32
        %parallel_loop3A_126 = arith.constant 4096 : i32
        %parallel_loop3A_127 = arith.constant 16 : i32
        scf.for %parallel_loop3A_141 = %parallel_loop3A_125 to %parallel_loop3A_126 step %parallel_loop3A_127  : i32 {
          %parallel_loop3A_142 = arith.constant 12288 : i32
          %parallel_loop3A_143 = arith.addi %parallel_loop3A_142, %parallel_loop3A_141 : i32
          %parallel_loop3A_144 = arith.index_cast %parallel_loop3A_143 : i32 to index
          %parallel_loop3A_145 = tpu.vector_load %arg10[%parallel_loop3A_144] {strides = array<i32>} : memref<16384xi32, #tpu.memory_space<vmem>>, vector<16xi32>,
          %parallel_loop3A_146 = tpu.vector_load_idx %arg9[%parallel_loop3A_145] : memref<100000xf32, #tpu.memory_space<vmem>>[vector<16xi32>], vector<16xf32>,
          %parallel_loop3A_147 = arith.addf %parallel_loop3A_146, %gather3A : vector<16xf32>
          %parallel_loop3A_148 = arith.index_cast %parallel_loop3A_141 : i32 to index
          %parallel_loop3A_149 = tpu.vector_load %arg12[%parallel_loop3A_148] {strides = array<i32>} : memref<4096xf32, #tpu.memory_space<vmem>>, vector<16xf32>,
          tpu.vector_store %arg12[%parallel_loop3A_148], %parallel_loop3A_147 {strides = array<i32>} : memref<4096xf32, #tpu.memory_space<vmem>>, vector<16xf32>,
        } {sc.loop_unroll_factor = 8 : i64, sc.parallel_access}
        %dma_start3A_128 = arith.constant 12288 : i32
        %dma_start3A_129 = tpu.memref_slice %arg8[%add3A_64, %select_n3A_9, %dma_start3A_128] : memref<33x16x16384xf32, #tpu.memory_space<hbm>> -> memref<1x1x4096xf32, #tpu.memory_space<hbm>>
        %dma_start3A_130 = tpu.memref_squeeze %dma_start3A_129 : memref<1x1x4096xf32, #tpu.memory_space<hbm>> -> memref<4096xf32, #tpu.memory_space<hbm>>
        %dma_start3A_131 = arith.constant 12288 : i32
        %dma_start3A_132 = tpu.memref_slice %arg8[%add3A_64, %select_n3A_9, %dma_start3A_131] : memref<33x16x16384xf32, #tpu.memory_space<hbm>> -> memref<1x1x4096xf32, #tpu.memory_space<hbm>>
        %dma_start3A_133 = tpu.memref_squeeze %dma_start3A_132 : memref<1x1x4096xf32, #tpu.memory_space<hbm>> -> memref<4096xf32, #tpu.memory_space<hbm>>
        tpu.enqueue_dma source(%arg12 : memref<4096xf32, #tpu.memory_space<vmem>>) target(%dma_start3A_133 : memref<4096xf32, #tpu.memory_space<hbm>>) target_semaphore(%arg16 : memref<!tpu.dma_semaphore, #tpu.memory_space<semaphore_mem>>)
        %add3A_134 = arith.constant 1 : i32
        %add3A_135 = arith.addi %scan3A_55, %add3A_134 : i32
        %lt3A_136 = arith.constant 16 : i32
        %lt3A_137 = arith.cmpi slt, %add3A_135, %lt3A_136 : i32
        %convert_element_type3A_138 = arith.extui %lt3A_137 : i1 to i32
        %cond3A_139 = arith.constant 0 : i32
        %cond3A_140 = arith.cmpi ne, %convert_element_type3A_138, %cond3A_139 : i32
        scf.if %cond3A_140 {
          %add3A_141 = arith.constant 1 : i32
          %add3A_142 = arith.addi %scan3A_55, %add3A_141 : i32
          %dma_start3A_143 = arith.constant 0 : i32
          %dma_start3A_144 = tpu.memref_slice %arg5[%select_n3A_9, %add3A_142, %dma_start3A_143] : memref<16x16x100000xf32, #tpu.memory_space<hbm>> -> memref<1x1x100000xf32, #tpu.memory_space<hbm>>
          %dma_start3A_145 = tpu.memref_squeeze %dma_start3A_144 : memref<1x1x100000xf32, #tpu.memory_space<hbm>> -> memref<100000xf32, #tpu.memory_space<hbm>>
          %dma_start3A_146 = arith.constant 0 : i32
          %dma_start3A_147 = tpu.memref_slice %arg5[%select_n3A_9, %add3A_142, %dma_start3A_146] : memref<16x16x100000xf32, #tpu.memory_space<hbm>> -> memref<1x1x100000xf32, #tpu.memory_space<hbm>>
          %dma_start3A_148 = tpu.memref_squeeze %dma_start3A_147 : memref<1x1x100000xf32, #tpu.memory_space<hbm>> -> memref<100000xf32, #tpu.memory_space<hbm>>
          tpu.enqueue_dma source(%dma_start3A_148 : memref<100000xf32, #tpu.memory_space<hbm>>) target(%arg9 : memref<100000xf32, #tpu.memory_space<vmem>>) target_semaphore(%arg15 : memref<!tpu.dma_semaphore, #tpu.memory_space<semaphore_mem>>)
        } else {
        }
      }
      %scan3A_41 = arith.constant 16 : i32
      %dma_wait3A = arith.constant 17 : i32
      %dma_wait3A_42 = arith.constant 0 : i32
      %dma_wait3A_43 = tpu.memref_slice %arg8[%dma_wait3A, %select_n3A_9, %dma_wait3A_42] : memref<33x16x16384xf32, #tpu.memory_space<hbm>> -> memref<1x1x4096xf32, #tpu.memory_space<hbm>>
      %dma_wait3A_44 = tpu.memref_squeeze %dma_wait3A_43 : memref<1x1x4096xf32, #tpu.memory_space<hbm>> -> memref<4096xf32, #tpu.memory_space<hbm>>
      %dma_wait3A_45 = arith.constant 0 : i32
      %dma_wait3A_46 = tpu.memref_slice %arg8[%dma_wait3A, %select_n3A_9, %dma_wait3A_45] : memref<33x16x16384xf32, #tpu.memory_space<hbm>> -> memref<1x1x4096xf32, #tpu.memory_space<hbm>>
      %dma_wait3A_47 = tpu.memref_squeeze %dma_wait3A_46 : memref<1x1x4096xf32, #tpu.memory_space<hbm>> -> memref<4096xf32, #tpu.memory_space<hbm>>
      tpu.wait_dma2 semaphore(%arg16 : memref<!tpu.dma_semaphore, #tpu.memory_space<semaphore_mem>>) src(%dma_wait3A_47 : memref<4096xf32, #tpu.memory_space<hbm>>) dst(%arg11 : memref<4096xf32, #tpu.memory_space<vmem>>)
      %dma_wait3A_48 = arith.constant 17 : i32
      %dma_wait3A_49 = arith.constant 0 : i32
      %dma_wait3A_50 = tpu.memref_slice %arg8[%dma_wait3A_48, %select_n3A_9, %dma_wait3A_49] : memref<33x16x16384xf32, #tpu.memory_space<hbm>> -> memref<1x1x4096xf32, #tpu.memory_space<hbm>>
      %dma_wait3A_51 = tpu.memref_squeeze %dma_wait3A_50 : memref<1x1x4096xf32, #tpu.memory_space<hbm>> -> memref<4096xf32, #tpu.memory_space<hbm>>
      %dma_wait3A_52 = arith.constant 0 : i32
      %dma_wait3A_53 = tpu.memref_slice %arg8[%dma_wait3A_48, %select_n3A_9, %dma_wait3A_52] : memref<33x16x16384xf32, #tpu.memory_space<hbm>> -> memref<1x1x4096xf32, #tpu.memory_space<hbm>>
      %dma_wait3A_54 = tpu.memref_squeeze %dma_wait3A_53 : memref<1x1x4096xf32, #tpu.memory_space<hbm>> -> memref<4096xf32, #tpu.memory_space<hbm>>
      tpu.wait_dma2 semaphore(%arg16 : memref<!tpu.dma_semaphore, #tpu.memory_space<semaphore_mem>>) src(%dma_wait3A_54 : memref<4096xf32, #tpu.memory_space<hbm>>) dst(%arg12 : memref<4096xf32, #tpu.memory_space<vmem>>)
    } else {
    }
    return
  }
}

</mosaic_0001>

<sc_bundles>
// kernel: kernel.3.cloned.1.call-start
scs
__scs_entry_jumppad:
0x0: {  	(pc) =	sbr.rel $0x88, $3  }
0x1: {  	(tag) =	ssettag $0x0;
	lr =	simm.s32 $0x1  }
0x2: {  	[smem:$0x3F9B] =	sst lr;
	_ =	strace $0xD0000000  }
0x3: {  	_ = 	snop  }
0x4: {  	_ = 	snop  }
0x5: {  	_ = 	snop  }
0x6: {  	_ = 	snop  }
0x7: {  	_ = 	snop  }
__scs_overlays_trampoline_lowered:
0x8: {  	[smem:$0x3FAA] =	sst s0  }
0x9: {  	[smem:$0x3FAB] =	sst s1  }
0xa: {  	[smem:$0x3FAC] =	sst s2  }
0xb: {  	[smem:$0x3FAD] =	sst s3  }
0xc: {  	[smem:$0x3FAE] =	sst s4  }
0xd: {  	[smem:$0x3FAF] =	sst s5  }
0xe: {  	[smem:$0x3FB0] =	sst s6  }
0xf: {  	[smem:$0x3FB1] =	sst s7  }
0x10: {  	[smem:$0x3FB2] =	sst s8  }
0x11: {  	[smem:$0x3FB3] =	sst s9;
	s0 =	simm.s32 @!p0 $0x0  }
0x12: {  	s1 =	sld [smem:$0x3F99];
	s0 =	simm.s32 @p0 $0x1  }
0x13: {  	[smem:$0x3FB4] =	sst s0;
	s0 =	simm.s32 @!p1 $0x0  }
0x14: {  	s2 =	sld [smem:$0x3F98];
	s0 =	simm.s32 @p1 $0x1  }
0x15: {  	[smem:$0x3FB5] =	sst s0;
	s0 =	simm.s32 @!p2 $0x0  }
0x16: {  	s3 =	sld [smem:$0x3FDB];
	s0 =	simm.s32 @p2 $0x1  }
0x17: {  	s4 =	simm.s32 $0x1BF5;
	[smem:$0x3FB7] =	sst s0  }
0x18: {  	s0 =	sld [smem:$0x3F9A];
	_ =	swait.ge [sflag:s4], $0x0  }
0x19: {  	s7 =	sld [smem:$0x3F9B]  }
0x1a: {  	s8 =	sadd.s32 $0xFFFFE003, lr  }
0x1b: {  	s9 =	sadd.s32 $0xFFFFFEF7, lr;
	s5 =	simm.s32 $0xFFFFFFFF;
	p2 =	slt.u32 s8, $0xFFFFF086  }
0x1c: {  	p1 =	slt.u32 s9, $0xF7A;
	s5 =	simm.s32 @!p2 $0x0  }
0x1d: {  	s5 =	simm.s32 @p1 $0x1;
	p0 =	seq.s32 s7, s2  }
0x1e: {  	s7 =	smul.u32 @!p0 $0xF7A, s2;
	p2 =	seq.s32 @!p0 s5, $0x0  }
0x1f: {  	s9 =	smul.u32 $0xF7A, s1;
	s8 =	simm.s32 @!p0 $0x1BF5;
	p2 =	por !p2, p0  }
0x20: {  	[sflag:s8] =	ssyncset.s32 @!p0 $0xFFFFF086;
	s6 =	sadd.s32 @!p0 s3, s7;
	s7 =	simm.s32 @!p0 $0x108  }
0x21: {  	s3 =	sadd.s32 s3, s9;
	s6 =	sadd.s32 @!p0 $0x88, s6;
	s7 =	simm.s32 @p2 $0x1082  }
0x22: {  	[simem:s7], [sflag:s8] =	dma.local @!p0 [hbm:s6], $0xF7A  }
0x23: {  	s9 =	sor.u32 $0xD0000000, s2;
	s6 =	simm.s32 $0x108;
	_ =	swait.ge @!p0 [sflag:s8], $0x0  }
0x24: {  	s3 =	sadd.s32 $0x88, s3;
	s6 =	simm.s32 @!p1 $0x1082;
	[sflag:s4] =	ssyncset.s32 $0xFFFFF086  }
0x25: {  	[simem:s6], [sflag:s4] =	dma.local [hbm:s3], $0xF7A  }
0x26: {  	[smem:$0x3F9B] =	sst s1;
	(tag) =	ssettag s2;
	_ =	strace s9  }
0x27: {  	s1 =	sld [smem:$0x3FAB]  }
0x28: {  	s2 =	sld [smem:$0x3FAC]  }
0x29: {  	s4 =	sld [smem:$0x3FAE]  }
0x2a: {  	p0 =	seq.s32 s5, $0x0;
	s5 =	sld [smem:$0x3FAF]  }
0x2b: {  	s6 =	sld [smem:$0x3FB0]  }
0x2c: {  	s7 =	sld [smem:$0x3FB1]  }
0x2d: {  	s3 =	simm.s32 $0x108;
	s8 =	sld [smem:$0x3FB2]  }
0x2e: {  	s3 =	simm.s32 @!p0 $0x1082;
	s9 =	sld [smem:$0x3FB3]  }
0x2f: {  	lr =	sadd.s32 s0, s3;
	s0 =	sld [smem:$0x3FAA]  }
0x30: {  	s3 =	sld [smem:$0x3FAD]  }
0x31: {  	[smem:$0x3FB6] =	sst s10  }
0x32: {  	s10 =	sld [smem:$0x3FB4];
	_ =	sdelay $0x3  }
0x33: {  	p0 =	seq.s32 s10, $0x1;
	s10 =	sld [smem:$0x3FB6];
	_ =	sdelay $0x3  }
0x34: {  	[smem:$0x3FB6] =	sst s10  }
0x35: {  	s10 =	sld [smem:$0x3FB5];
	_ =	sdelay $0x3  }
0x36: {  	p1 =	seq.s32 s10, $0x1;
	s10 =	sld [smem:$0x3FB6];
	_ =	sdelay $0x3  }
0x37: {  	[smem:$0x3FB6] =	sst s10  }
0x38: {  	s10 =	sld [smem:$0x3FB7]  }
0x39: {  	_ = 	snop;
	(pc) =	sbr.ind lr, $3  }
0x3a: {  	_ = 	snop  }
0x3b: {  	_ = 	snop  }
0x3c: {  	p2 =	seq.s32 s10, $0x1;
	s10 =	sld [smem:$0x3FB6]  }
0x3d: {  	_ =	shalt  }
0x3e: {  	_ =	shalt  }
0x3f: {  	_ =	shalt  }
0x40: {  	_ =	shalt  }
0x41: {  	_ =	shalt  }
0x42: {  	_ =	shalt  }
0x43: {  	_ =	shalt  }
0x44: {  	_ =	shalt  }
0x45: {  	_ =	shalt  }
0x46: {  	_ =	shalt  }
0x47: {  	_ =	shalt  }
0x48: {  	_ =	shalt  }
0x49: {  	_ =	shalt  }
0x4a: {  	_ =	shalt  }
0x4b: {  	_ =	shalt  }
0x4c: {  	_ =	shalt  }
0x4d: {  	_ =	shalt  }
0x4e: {  	_ =	shalt  }
0x4f: {  	_ =	shalt  }
0x50: {  	_ =	shalt  }
0x51: {  	_ =	shalt  }
0x52: {  	_ =	shalt  }
0x53: {  	_ =	shalt  }
0x54: {  	_ =	shalt  }
0x55: {  	_ =	shalt  }
0x56: {  	_ =	shalt  }
0x57: {  	_ =	shalt  }
0x58: {  	_ =	shalt  }
0x59: {  	_ =	shalt  }
0x5a: {  	_ =	shalt  }
0x5b: {  	_ =	shalt  }
0x5c: {  	_ =	shalt  }
0x5d: {  	_ =	shalt  }
0x5e: {  	_ =	shalt  }
0x5f: {  	_ =	shalt  }
0x60: {  	_ =	shalt  }
0x61: {  	_ =	shalt  }
0x62: {  	_ =	shalt  }
0x63: {  	_ =	shalt  }
0x64: {  	_ =	shalt  }
0x65: {  	_ =	shalt  }
0x66: {  	_ =	shalt  }
0x67: {  	_ =	shalt  }
0x68: {  	_ =	shalt  }
0x69: {  	_ =	shalt  }
0x6a: {  	_ =	shalt  }
0x6b: {  	_ =	shalt  }
0x6c: {  	_ =	shalt  }
0x6d: {  	_ =	shalt  }
0x6e: {  	_ =	shalt  }
0x6f: {  	_ =	shalt  }
0x70: {  	_ =	shalt  }
0x71: {  	_ =	shalt  }
0x72: {  	_ =	shalt  }
0x73: {  	_ =	shalt  }
0x74: {  	_ =	shalt  }
0x75: {  	_ =	shalt  }
0x76: {  	_ =	shalt  }
0x77: {  	_ =	shalt  }
0x78: {  	_ =	shalt  }
0x79: {  	_ =	shalt  }
0x7a: {  	_ =	shalt  }
0x7b: {  	_ =	shalt  }
0x7c: {  	_ =	shalt  }
0x7d: {  	_ =	shalt  }
0x7e: {  	_ =	shalt  }
0x7f: {  	_ =	shalt  }
0x80: {  	_ =	shalt  }
0x81: {  	_ =	shalt  }
0x82: {  	_ =	shalt  }
0x83: {  	_ =	shalt  }
0x84: {  	_ =	shalt  }
0x85: {  	_ =	shalt  }
0x86: {  	_ =	shalt  }
0x87: {  	_ =	shalt  }
.Lfunc_end0:
.L_simem_size_0:
called_computation_lowered:
.L_overlay_start_0:
0x88: {  	s2 =	sld [smem:$0x3FD9]  }
0x89: {  	s3 =	sld [smem:$0x3FFE];
	_ =	sdelay $0x1  }
0x8a: {  	s1 =	srdreg.scid  }
0x8b: {  	s0 =	sand.u32 $0x1, s1  }
0x8c: {  	s17 =	sshll.u32 s0, $0xA;
	s2 =	sadd.s32 s3, s2  }
0x8d: {  	s2 =	sadd.s32 s2, s17  }
0x8e: {  	[smem:$0x3FC2] =	sst s2  }
0x8f: {  	_ = 	snop  }
0x90: {  	s2 =	sld [smem:$0x3FC9]  }
0x91: {  	s18 =	sld [smem:$0x3FC8]  }
0x92: {  	s4 =	sld [smem:$0x3FC7]  }
0x93: {  	s5 =	sld [smem:$0x3FC6]  }
0x94: {  	s6 =	sld [smem:$0x3FC5]  }
0x95: {  	s7 =	sld [smem:$0x3FD0];
	(tm) =	ssettm $0x1  }
0x96: {  	s8 =	sld [smem:$0x3FFB];
	_ =	sdelay $0x3  }
0x97: {  	_ =	strace s8  }
0x98: {  	s8 =	sld [smem:$0x3FFC];
	_ =	sdelay $0x3  }
0x99: {  	_ =	strace s8  }
0x9a: {  	s8 =	sld [smem:$0x3FFD];
	_ =	sdelay $0x3  }
0x9b: {  	_ =	strace s8  }
0x9c: {  	_ =	strace $0x8FFFFFFF  }
0x9d: {  	s19 =	sld [smem:$0x3FDB];
	_ =	sdelay $0x1  }
0x9e: {  	s9 =	simm.s32 $_scs_section_size  }
0x9f: {  	s10 =	simm.s32 $_size__tile_overlayer_lowered;
	s11 =	simm.s32 $_tile_overlayer_lowered  }
0xa0: {  	s22 =	simm.s32 $0x1BFF;
	s21 =	sshll.u32 s11, $0x1;
	s8 =	sadd.s32 s9, s19  }
0xa1: {  	s12 =	simm.s32 $0x0;
	s20 =	sshll.u32 s10, $0x1;
	s10 =	sadd.s32 s21, s8  }
0xa2: {  	[timem:s12], [sflag:s22] =	dma.local [hbm:s10], s20  }
0xa3: {  	_ =	swait.ge [sflag:s22], s20  }
0xa4: {  	s9 =	ssub.s32 $0x0, s20;
	[sflag:s22] =	ssyncset.done $0x0  }
0xa5: {  	[sflag:s22] =	ssyncadd.s32 s9;
	_ =	sdelay $0x1  }
0xa6: {  	s23 =	simm.s32 $0x1B8B  }
0xa7: {  	_ =	swait.ge [sflag:s23], $0x1  }
0xa8: {  	[sflag:s23] =	ssyncset.done $0x0  }
0xa9: {  	s25 =	simm.s32 $0x1B8E;
	s24 =	sld [smem:$0x3FFE];
	[sflag:s23] =	ssyncadd.s32 $0xFFFFFFFF  }
0xaa: {  	s26 =	simm.s32 $execute0_lowered;
	[smem:$0x3FD2] =	sst s25  }
0xab: {  	s10 =	sshll.u32 s26, $0x1;
	_ =	strace $0x80000046;
	[dreg:$0x1] =	wrdreg $0xFFFFFFFF  }
0xac: {  	s28 =	simm.s32 $_size_execute0_lowered;
	s8 =	sadd.s32 s8, s10;
	[dreg:$0x0] =	wrdreg $0x0  }
0xad: {  	s10 =	sshll.u32 s28, $0x1;
	[dreg:$0x2] =	wrdreg s8  }
0xae: {  	[dreg:$0x3] =	wrdreg s10  }
0xaf: {  	[dreg:$0x4] =	wrdreg $0xC0  }
0xb0: {  	_ =	task [dreg:s12], $0x5FFFF  }
0xb1: {  	[dreg:$0x1] =	wrdreg $0xFFFFFFFF  }
0xb2: {  	[dreg:$0x0] =	wrdreg $0x60  }
0xb3: {  	[dreg:$0x2] =	wrdreg s2  }
0xb4: {  	[dreg:$0x3] =	wrdreg s18  }
0xb5: {  	[dreg:$0x4] =	wrdreg s4  }
0xb6: {  	[dreg:$0x5] =	wrdreg s5  }
0xb7: {  	[dreg:$0x6] =	wrdreg s6  }
0xb8: {  	[dreg:$0x7] =	wrdreg s24  }
0xb9: {  	[dreg:$0x8] =	wrdreg s7  }
0xba: {  	[dreg:$0x9] =	wrdreg $0x9  }
0xbb: {  	_ =	task.clear_ibuf [dreg:s12], $0xAFFFF;
	_ =	strace $0x90000046  }
0xbc: {  	s29 =	simm.s32 $0x9;
	_ =	strace $0x80000048  }
0xbd: {  	_ =	swait.ge [sflag:s29], $0x1  }
0xbe: {  	[sflag:s29] =	ssyncadd.s32 $0xFFFFFFFF  }
0xbf: {  	_ =	strace $0x90000048  }
0xc0: {  	_ =	sfence  }
0xc1: {  	s30 =	sld [smem:$0x0];
	_ =	sdelay $0x2  }
0xc2: {  	s31 =	sshll.u32 s1, $0xD;
	s1 =	sshrl.u32 s1, $0x2  }
0xc3: {  	s3 =	sand.u32 $0x4000, s31;
	s1 =	sadd.s32 s1, s30  }
0xc4: {  	s0 =	sor.u32 s3, s0;
	s1 =	sshll.u32 s1, $0x11  }
0xc5: {  	s0 =	sor.u32 s1, s0  }
0xc6: {  	s0 =	sadd.s32 $0x8F2B, s0  }
0xc7: {  	[sflag:s0] =	ssyncadd.remote.s32 $0x1  }
0xc8: {  	_ =	sfence.sel $0xFFFF  }
0xc9: {  	[dreg:$0x0] =	wrdreg $0xFFFFFFFF;
	(pc) =	sbr.abs _section_cstart, $3  }
0xca: {  	[dreg:$0x1] =	wrdreg $0xFFFFFFFF  }
0xcb: {  	_ =	task.clear_ibuf [dreg:s12], $0x2FFFF;
	_ =	strace $0x9FFFFFFF  }
0xcc: {  	(tm) =	ssettm $0x7FFFFFFF  }
0xcd: {  	_ =	shalt  }
tec
execute0_lowered:
.L_overlay_start_1:
0x0: {  	(tag) =	ssettag $0x1  }
0x1: {  	s2 =	rddreg [dreg:$0x2]  }
0x2: {  	s4 =	rddreg [dreg:$0x3]  }
0x3: {  	s0 =	rddreg [dreg:$0x5]  }
0x4: {  	s1 =	srdreg.scid;
	s15 =	stileid.u32  }
0x5: {  	s7 =	rddreg [dreg:$0x6];
	s8 =	simm.s32 $0x0;
	s29 =	simm.s32 $0x1E700  }
0x6: {  	s30 =	simm.s32 $0x3;
	s31 =	simm.s32 $0x1E980;
	s1 =	sand.u32 $0x1, s1  }
0x7: {  	s3 =	sshll.u32 s15, $0x1;
	[smem:$0x7FF] =	sst s8;
	s23 =	sshll.u32 s15, $0xF  }
0x8: {  	s13 =	sadd.s32 $0x400, s0;
	s17 =	sadd.s32 $0x1000, s7;
	s18 =	sadd.s32 $0x2000, s7  }
0x9: {  	s6 =	sshll.u32 s15, $0xC;
	p0 =	sgt.u32 s15, $0x7;
	s0 =	simm.s32 $0x1C700  }
0xa: {  	s15 =	simm.s32 $0x0;
	s9 =	sor.u32 s1, s3;
	_ =	strace $0x80000047  }
0xb: {  	s1 =	ssub.s32 $0x2, s1;
	s14 =	sand.u32 $0x4000, s6;
	s6 =	sor.u32 $0x3000, s6  }
0xc: {  	s5 =	sshll.u32 s9, $0x7;
	s10 =	sand.u32 $0xF, s9;
	s24 =	sshrl.u32 s1, $0x1  }
0xd: {  	s3 =	sor.u32 s23, s5;
	s12 =	smul.u32 $0x187000, s10;
	s23 =	sshll.u32 s9, $0x4  }
0xe: {  	s26 =	ssub.s32 s1, s24;
	s11 =	sand.u32 $0x20380, s3;
	s5 =	sand.u32 $0x70, s23  }
0xf: {  	s3 =	simm.s32 $0x400;
	s25 =	sshrl.u32 s11, $0x3;
	s21 =	sshrl.u32 s12, $0x3  }
0x10: {  	s5 =	sadd.s32 s7, s5;
	s16 =	sadd.s32 s25, s7;
	s22 =	sadd.s32 s4, s21  }
0x11: {  	s25 =	sadd.s32 s2, s21;
	s19 =	sadd.s32 $0x88000, s16;
	[dreg:$0xa] =	wrdreg s22  }
0x12: {  	s20 =	sadd.s32 $0x89000, s16;
	s24 =	sadd.s32 $0x8000, s16;
	[dreg:$0xe] =	wrdreg s25  }
0x13: {  	s1 =	sadd.s32 $0x9000, s16;
	s25 =	smax.u32 s26, $0x1;
	[dreg:$0x8] =	wrdreg s19  }
.Ltmp0:
0x14: {  	[dreg:$0x9] =	wrdreg s20;
	s19 =	sadd.s32 $0x3000, s7;
	(pc) =	sbr.rel .LBB2_1-.Ltmp0, $4  }
0x15: {  	s20 =	sadd.s32 s14, s5;
	s5 =	sadd.s32 s6, s5;
	[dreg:$0xc] =	wrdreg s24  }
0x16: {  	[dreg:$0xd] =	wrdreg s1;
	s6 =	simm.s32 $0x80;
	s1 =	simm.s32 $0x1  }
0x17: {  	s14 =	simm.s32 $0x2;
	[dreg:$0xb] =	wrdreg s5;
	s26 =	sadd.s32 $0x1000, s20  }
0x18: {  	v0 =	vmov s10;
	s28 =	sadd.s32 $0x2000, s20;
	s5 =	simm.s32 $0x1D700;
	[dreg:$0xf] =	wrdreg s26  }
.LBB2_24:
0x19: {  	s15 =	sadd.s32 $0x1, s15  }
0x1a: {  	_ =	swait.ge [sflag:s14], $0x1000;
	p1 =	sne.s32 s15, s25  }
.Ltmp1:
0x1b: {  	[sflag:s14] =	ssyncset.done $0x0;
	(pc) =	sbr.rel @!p1 .LBB2_25-.Ltmp1, $4  }
0x1c: {  	[sflag:s14] =	ssyncadd.s32 $0xFFFFF000  }
0x1d: {  	_ =	swait.ge [sflag:s14], $0x1000  }
0x1e: {  	[sflag:s14] =	ssyncset.done $0x0  }
0x1f: {  	[sflag:s14] =	ssyncadd.s32 $0xFFFFF000  }
.LBB2_1:
0x20: {  	[tilespmem:s29], [sflag:$0x3] =	stream.linear.gather [hbm4b:s13+s8], $0x280, $0x38;
	[tilespmem:$0x1EA00] =	vst v63  }
0x21: {  	_ =	swait.ge [sflag:s30], $0x280  }
0x22: {  	[sflag:s30] =	ssyncset.done $0x0  }
0x23: {  	[sflag:s30] =	ssyncadd.s32 $0xFFFFFD80  }
.Ltmp2:
0x24: {  	s16 =	rddreg [dreg:$0x4];
	(pc) =	sbr.rel @p0 .LBB2_14-.Ltmp2, $4  }
0x25: {  	[tilespmem:s31], [sflag:$0x3] =	stream.linear.gather [hbm4b:s16+s8], $0x80, $0x38;
	[tilespmem:$0x1EA00] =	vst v63  }
0x26: {  	_ =	swait.ge [sflag:s30], $0x80  }
0x27: {  	[sflag:s30] =	ssyncset.done $0x0  }
0x28: {  	[sflag:s30] =	ssyncadd.s32 $0xFFFFFF80  }
0x29: {  	_ =	sdelay $0x3  }
0x2a: {  	v1 =	vld.idx.msk [tilespmem:v0+s31+$0x0], $0xffff  }
0x2b: {  	v2 =	vld.idx.msk [tilespmem:v0+s29+$0x0], $0xffff;
	_ =	sdelay $0x4  }
0x2c: {  	v1 =	vadd.f32 v2, v1  }
0x2d: {  	s16 =	simm.s32 $0x0;
	s21 =	simm.s32 $0x200  }
.LBB2_3:
0x2e: {  	p1 =	sne.s32 s21, $0x3E00;
	[tilespmem:s16+$0x1C770] =	vst v1  }
0x2f: {  	[tilespmem:s16+$0x1C700] =	vst v1  }
0x30: {  	[tilespmem:s16+$0x1C710] =	vst v1  }
.Ltmp3:
0x31: {  	[tilespmem:s16+$0x1C720] =	vst v1;
	(pc) =	sbr.rel @p1 .LBB2_3-.Ltmp3, $4  }
0x32: {  	[tilespmem:s16+$0x1C730] =	vst v1  }
0x33: {  	[tilespmem:s16+$0x1C740] =	vst v1  }
0x34: {  	[tilespmem:s16+$0x1C750] =	vst v1  }
0x35: {  	[tilespmem:s16+$0x1C760] =	vst v1;
	s16 =	sshra.s32 s21, $0x2;
	s21 =	sadd.s32 $0x200, s21  }
0x36: {  	[tilespmem:s16+$0x1C770] =	vst v1  }
0x37: {  	[tilespmem:s16+$0x1C700] =	vst v1  }
0x38: {  	[tilespmem:s16+$0x1C710] =	vst v1  }
0x39: {  	[tilespmem:s16+$0x1C720] =	vst v1  }
0x3a: {  	[tilespmem:s16+$0x1C730] =	vst v1  }
0x3b: {  	[tilespmem:s16+$0x1C740] =	vst v1  }
0x3c: {  	[tilespmem:s16+$0x1C750] =	vst v1  }
0x3d: {  	[tilespmem:s16+$0x1C760] =	vst v1  }
0x3e: {  	[hbm4b:s20+s6] =	stream.strided.scatter [tilespmem:s0], [sflag:$0x3], $0x1000, s3, s6, $0x38;
	[tilespmem:$0x1EA00] =	vst v63  }
0x3f: {  	_ =	swait.ge [sflag:s30], $0x1000  }
0x40: {  	[sflag:s30] =	ssyncset.done $0x0  }
0x41: {  	s23 =	rddreg [dreg:$0xf];
	[sflag:s30] =	ssyncadd.s32 $0xFFFFF000  }
0x42: {  	[hbm4b:s23+s6] =	stream.strided.scatter [tilespmem:s0], [sflag:$0x3], $0x1000, s3, s6, $0x38;
	[tilespmem:$0x1EA00] =	vst v63  }
0x43: {  	_ =	swait.ge [sflag:s30], $0x1000  }
0x44: {  	[sflag:s30] =	ssyncset.done $0x0  }
0x45: {  	[sflag:s30] =	ssyncadd.s32 $0xFFFFF000  }
0x46: {  	[hbm4b:s28+s6] =	stream.strided.scatter [tilespmem:s0], [sflag:$0x3], $0x1000, s3, s6, $0x38;
	[tilespmem:$0x1EA00] =	vst v63  }
0x47: {  	_ =	swait.ge [sflag:s30], $0x1000  }
0x48: {  	[sflag:s30] =	ssyncset.done $0x0  }
0x49: {  	s24 =	rddreg [dreg:$0xb];
	[sflag:s30] =	ssyncadd.s32 $0xFFFFF000  }
0x4a: {  	[hbm4b:s24+s6] =	stream.strided.scatter [tilespmem:s0], [sflag:$0x3], $0x1000, s3, s6, $0x38;
	[tilespmem:$0x1EA00] =	vst v63  }
0x4b: {  	_ =	swait.ge [sflag:s30], $0x1000  }
0x4c: {  	[sflag:s30] =	ssyncset.done $0x0  }
0x4d: {  	[sflag:s30] =	ssyncadd.s32 $0xFFFFF000  }
0x4e: {  	s21 =	simm.s32 $0x0;
	s22 =	simm.s32 $0x18700;
	s26 =	rddreg [dreg:$0x0]  }
0x4f: {  	[tilespmem:s22], [sflag:$0x3] =	stream.linear.gather [hbm4b:s26+s21], $0x4000, $0x38;
	[tilespmem:$0x1EA00] =	vst v63  }
0x50: {  	_ =	swait.ge [sflag:s30], $0x4000  }
0x51: {  	[sflag:s30] =	ssyncset.done $0x0  }
0x52: {  	s23 =	rddreg [dreg:$0xc];
	[sflag:s30] =	ssyncadd.s32 $0xFFFFC000  }
0x53: {  	[hbm4b:s23+s6] =	stream.strided.scatter [tilespmem:s0], [sflag:$0x2], $0x1000, s3, s6, $0x38;
	[tilespmem:$0x1EA00] =	vst v63  }
0x54: {  	s24 =	rddreg [dreg:$0xd]  }
0x55: {  	[hbm4b:s24+s6] =	stream.strided.scatter [tilespmem:s5], [sflag:$0x2], $0x1000, s3, s6, $0x38;
	[tilespmem:$0x1EA00] =	vst v63  }
0x56: {  	s26 =	rddreg [dreg:$0xe]  }
0x57: {  	[tilespmem:s21], [sflag:$0x1] =	stream.strided.gather [hbm4b:s26+s6], $0x18700, s3, s6, $0x38;
	[tilespmem:$0x1EA00] =	vst v63  }
.LBB2_5:
0x58: {  	s16 =	sadd.s32 $0x1, s21  }
0x59: {  	s22 =	sshll.u32 s16, $0x4  }
0x5a: {  	s22 =	sor.u32 s9, s22  }
0x5b: {  	v1 =	vmov s22;
	_ =	sdelay $0x1  }
0x5c: {  	_ =	swait.ge [sflag:s1], $0x18700  }
0x5d: {  	[sflag:s1] =	ssyncset.done $0x0  }
0x5e: {  	[sflag:s1] =	ssyncadd.s32 $0xFFFE7900  }
0x5f: {  	v1 =	vld.idx.msk [tilespmem:v1+s29+$0x0], $0xffff;
	_ =	swait.ge [sflag:s14], $0x1000  }
0x60: {  	[sflag:s14] =	ssyncset.done $0x0  }
0x61: {  	s26 =	simm.s32 $0x18740;
	[sflag:s14] =	ssyncadd.s32 $0xFFFFF000  }
0x62: {  	v2 =	vld [tilespmem:s26+$0x30]  }
0x63: {  	v3 =	vld [tilespmem:s26+$0xFFFFFFD0]  }
0x64: {  	v4 =	vld [tilespmem:s26+$0xFFFFFFE0]  }
0x65: {  	v5 =	vld [tilespmem:s26+$0xFFFFFFF0]  }
0x66: {  	v8 =	vld [tilespmem:s26+$0x0]  }
0x67: {  	v9 =	vld [tilespmem:s26+$0x10]  }
0x68: {  	v10 =	vld [tilespmem:s26+$0x20]  }
0x69: {  	v11 =	vld [tilespmem:s26+$0xFFFFFFC0]  }
0x6a: {  	v12 =	vld.idx.msk [tilespmem:v2+s8+$0x0], $0xffff  }
0x6b: {  	v13 =	vld.idx.msk [tilespmem:v3+s8+$0x0], $0xffff  }
0x6c: {  	v7 =	vld.idx.msk [tilespmem:v4+s8+$0x0], $0xffff  }
0x6d: {  	v6 =	vld.idx.msk [tilespmem:v5+s8+$0x0], $0xffff  }
0x6e: {  	v5 =	vld.idx.msk [tilespmem:v8+s8+$0x0], $0xffff  }
0x6f: {  	v4 =	vld.idx.msk [tilespmem:v9+s8+$0x0], $0xffff  }
0x70: {  	v2 =	vld.idx.msk [tilespmem:v10+s8+$0x0], $0xffff;
	v8 =	vadd.f32 v12, v1  }
0x71: {  	s23 =	simm.s32 $0x1C740;
	s24 =	simm.s32 $0x187C0;
	s22 =	simm.s32 $0x0;
	v3 =	vld.idx.msk [tilespmem:v11+s8+$0x0], $0xffff;
	v9 =	vadd.f32 v13, v1  }
.LBB2_6:
0x72: {  	v10 =	vld [tilespmem:s24+$0x30];
	s22 =	sadd.s32 $0x80, s22;
	v7 =	vadd.f32 v7, v1;
	[tilespmem:s23+$0x30] =	vst v8  }
0x73: {  	v6 =	vadd.f32 v6, v1;
	v8 =	vld [tilespmem:s24+$0xFFFFFFD0];
	p1 =	slt.u32 s22, $0xF80;
	[tilespmem:s23+$0xFFFFFFD0] =	vst v9  }
0x74: {  	v5 =	vadd.f32 v5, v1;
	v9 =	vld [tilespmem:s24+$0xFFFFFFE0];
	[tilespmem:s23+$0xFFFFFFE0] =	vst v7  }
0x75: {  	v4 =	vadd.f32 v4, v1;
	v11 =	vld [tilespmem:s24+$0xFFFFFFF0];
	[tilespmem:s23+$0xFFFFFFF0] =	vst v6  }
0x76: {  	v2 =	vadd.f32 v2, v1;
	v12 =	vld [tilespmem:s24+$0x0];
	[tilespmem:s23+$0x0] =	vst v5  }
0x77: {  	v3 =	vadd.f32 v3, v1;
	v13 =	vld [tilespmem:s24+$0x10];
	[tilespmem:s23+$0x10] =	vst v4  }
0x78: {  	v14 =	vld [tilespmem:s24+$0x20];
	[tilespmem:s23+$0x20] =	vst v2  }
0x79: {  	v15 =	vld [tilespmem:s24+$0xFFFFFFC0];
	[tilespmem:s23+$0xFFFFFFC0] =	vst v3  }
0x7a: {  	v3 =	vld.idx.msk [tilespmem:v10+s8+$0x0], $0xffff  }
0x7b: {  	v10 =	vld.idx.msk [tilespmem:v8+s8+$0x0], $0xffff  }
0x7c: {  	v7 =	vld.idx.msk [tilespmem:v9+s8+$0x0], $0xffff  }
.Ltmp4:
0x7d: {  	v6 =	vld.idx.msk [tilespmem:v11+s8+$0x0], $0xffff;
	(pc) =	sbr.rel @p1 .LBB2_6-.Ltmp4, $4  }
0x7e: {  	v5 =	vld.idx.msk [tilespmem:v12+s8+$0x0], $0xffff  }
0x7f: {  	v4 =	vld.idx.msk [tilespmem:v13+s8+$0x0], $0xffff  }
0x80: {  	v8 =	vadd.f32 v3, v1;
	v2 =	vld.idx.msk [tilespmem:v14+s8+$0x0], $0xffff  }
0x81: {  	s24 =	sadd.s32 $0x80, s24;
	s23 =	sadd.s32 $0x80, s23;
	v9 =	vadd.f32 v10, v1;
	v3 =	vld.idx.msk [tilespmem:v15+s8+$0x0], $0xffff  }
0x82: {  	v7 =	vadd.f32 v7, v1;
	[tilespmem:s23+$0x30] =	vst v8  }
0x83: {  	v6 =	vadd.f32 v6, v1;
	[tilespmem:s23+$0xFFFFFFD0] =	vst v9  }
0x84: {  	v5 =	vadd.f32 v5, v1;
	[tilespmem:s23+$0xFFFFFFE0] =	vst v7  }
0x85: {  	[tilespmem:s23+$0xFFFFFFF0] =	vst v6;
	v4 =	vadd.f32 v4, v1  }
0x86: {  	s22 =	sshll.u32 s16, $0x12;
	[tilespmem:s23+$0x0] =	vst v5;
	v2 =	vadd.f32 v2, v1  }
0x87: {  	s22 =	sor.u32 s11, s22;
	v3 =	vadd.f32 v3, v1;
	[tilespmem:s23+$0x10] =	vst v4  }
0x88: {  	s22 =	sshrl.u32 s22, $0x3;
	[tilespmem:s23+$0x20] =	vst v2  }
0x89: {  	s24 =	sadd.s32 s7, s22;
	[tilespmem:s23+$0xFFFFFFC0] =	vst v3  }
0x8a: {  	[hbm4b:s24+s6] =	stream.strided.scatter [tilespmem:s0], [sflag:$0x2], $0x1000, s3, s6, $0x38;
	[tilespmem:$0x1EA00] =	vst v63  }
0x8b: {  	_ =	swait.ge [sflag:s14], $0x1000  }
0x8c: {  	[sflag:s14] =	ssyncset.done $0x0  }
0x8d: {  	s26 =	simm.s32 $0x19770;
	[sflag:s14] =	ssyncadd.s32 $0xFFFFF000  }
0x8e: {  	v2 =	vld [tilespmem:s26+$0x0]  }
0x8f: {  	v3 =	vld [tilespmem:s26+$0xFFFFFFA0]  }
0x90: {  	v4 =	vld [tilespmem:s26+$0xFFFFFFB0]  }
0x91: {  	v5 =	vld [tilespmem:s26+$0xFFFFFFC0]  }
0x92: {  	v8 =	vld [tilespmem:s26+$0xFFFFFFD0]  }
0x93: {  	v9 =	vld [tilespmem:s26+$0xFFFFFFE0]  }
0x94: {  	v10 =	vld [tilespmem:s26+$0xFFFFFFF0]  }
0x95: {  	v11 =	vld [tilespmem:s26+$0xFFFFFF90]  }
0x96: {  	v12 =	vld.idx.msk [tilespmem:v2+s8+$0x0], $0xffff  }
0x97: {  	v13 =	vld.idx.msk [tilespmem:v3+s8+$0x0], $0xffff  }
0x98: {  	v7 =	vld.idx.msk [tilespmem:v4+s8+$0x0], $0xffff  }
0x99: {  	v6 =	vld.idx.msk [tilespmem:v5+s8+$0x0], $0xffff  }
0x9a: {  	v5 =	vld.idx.msk [tilespmem:v8+s8+$0x0], $0xffff  }
0x9b: {  	v3 =	vld.idx.msk [tilespmem:v9+s8+$0x0], $0xffff  }
0x9c: {  	v2 =	vld.idx.msk [tilespmem:v10+s8+$0x0], $0xffff;
	v8 =	vadd.f32 v12, v1  }
0x9d: {  	s23 =	simm.s32 $0x1D740;
	s24 =	simm.s32 $0x0;
	s26 =	simm.s32 $0x197F0;
	v4 =	vld.idx.msk [tilespmem:v11+s8+$0x0], $0xffff;
	v9 =	vadd.f32 v13, v1  }
.LBB2_8:
0x9e: {  	v10 =	vld [tilespmem:s26+$0x0];
	s24 =	sadd.s32 $0x80, s24;
	v7 =	vadd.f32 v7, v1;
	[tilespmem:s23+$0x30] =	vst v8  }
0x9f: {  	v6 =	vadd.f32 v6, v1;
	v8 =	vld [tilespmem:s26+$0xFFFFFFA0];
	p1 =	slt.u32 s24, $0xF80;
	[tilespmem:s23+$0xFFFFFFD0] =	vst v9  }
0xa0: {  	v5 =	vadd.f32 v5, v1;
	v9 =	vld [tilespmem:s26+$0xFFFFFFB0];
	[tilespmem:s23+$0xFFFFFFE0] =	vst v7  }
0xa1: {  	v3 =	vadd.f32 v3, v1;
	v11 =	vld [tilespmem:s26+$0xFFFFFFC0];
	[tilespmem:s23+$0xFFFFFFF0] =	vst v6  }
0xa2: {  	v2 =	vadd.f32 v2, v1;
	v12 =	vld [tilespmem:s26+$0xFFFFFFD0];
	[tilespmem:s23+$0x0] =	vst v5  }
0xa3: {  	v4 =	vadd.f32 v4, v1;
	v13 =	vld [tilespmem:s26+$0xFFFFFFE0];
	[tilespmem:s23+$0x10] =	vst v3  }
0xa4: {  	v14 =	vld [tilespmem:s26+$0xFFFFFFF0];
	[tilespmem:s23+$0x20] =	vst v2  }
0xa5: {  	v15 =	vld [tilespmem:s26+$0xFFFFFF90];
	[tilespmem:s23+$0xFFFFFFC0] =	vst v4  }
0xa6: {  	v4 =	vld.idx.msk [tilespmem:v10+s8+$0x0], $0xffff  }
0xa7: {  	v10 =	vld.idx.msk [tilespmem:v8+s8+$0x0], $0xffff  }
0xa8: {  	v7 =	vld.idx.msk [tilespmem:v9+s8+$0x0], $0xffff  }
.Ltmp5:
0xa9: {  	v6 =	vld.idx.msk [tilespmem:v11+s8+$0x0], $0xffff;
	(pc) =	sbr.rel @p1 .LBB2_8-.Ltmp5, $4  }
0xaa: {  	v5 =	vld.idx.msk [tilespmem:v12+s8+$0x0], $0xffff  }
0xab: {  	v3 =	vld.idx.msk [tilespmem:v13+s8+$0x0], $0xffff  }
0xac: {  	v8 =	vadd.f32 v4, v1;
	v2 =	vld.idx.msk [tilespmem:v14+s8+$0x0], $0xffff  }
0xad: {  	s26 =	sadd.s32 $0x80, s26;
	s23 =	sadd.s32 $0x80, s23;
	v9 =	vadd.f32 v10, v1;
	v4 =	vld.idx.msk [tilespmem:v15+s8+$0x0], $0xffff  }
0xae: {  	v7 =	vadd.f32 v7, v1;
	[tilespmem:s23+$0x30] =	vst v8  }
0xaf: {  	v6 =	vadd.f32 v6, v1;
	[tilespmem:s23+$0xFFFFFFD0] =	vst v9  }
0xb0: {  	v5 =	vadd.f32 v5, v1;
	[tilespmem:s23+$0xFFFFFFE0] =	vst v7  }
0xb1: {  	[tilespmem:s23+$0xFFFFFFF0] =	vst v6;
	v3 =	vadd.f32 v3, v1  }
0xb2: {  	[tilespmem:s23+$0x0] =	vst v5;
	v2 =	vadd.f32 v2, v1  }
0xb3: {  	v4 =	vadd.f32 v4, v1;
	[tilespmem:s23+$0x10] =	vst v3  }
0xb4: {  	[tilespmem:s23+$0x20] =	vst v2  }
0xb5: {  	s24 =	sadd.s32 s22, s17;
	[tilespmem:s23+$0xFFFFFFC0] =	vst v4  }
0xb6: {  	[hbm4b:s24+s6] =	stream.strided.scatter [tilespmem:s5], [sflag:$0x2], $0x1000, s3, s6, $0x38;
	[tilespmem:$0x1EA00] =	vst v63  }
0xb7: {  	_ =	swait.ge [sflag:s14], $0x1000  }
0xb8: {  	[sflag:s14] =	ssyncset.done $0x0  }
0xb9: {  	s26 =	simm.s32 $0x1A770;
	[sflag:s14] =	ssyncadd.s32 $0xFFFFF000  }
0xba: {  	v2 =	vld [tilespmem:s26+$0x0]  }
0xbb: {  	v3 =	vld [tilespmem:s26+$0xFFFFFFA0]  }
0xbc: {  	v4 =	vld [tilespmem:s26+$0xFFFFFFB0]  }
0xbd: {  	v5 =	vld [tilespmem:s26+$0xFFFFFFC0]  }
0xbe: {  	v8 =	vld [tilespmem:s26+$0xFFFFFFD0]  }
0xbf: {  	v9 =	vld [tilespmem:s26+$0xFFFFFFE0]  }
0xc0: {  	v10 =	vld [tilespmem:s26+$0xFFFFFFF0]  }
0xc1: {  	v11 =	vld [tilespmem:s26+$0xFFFFFF90]  }
0xc2: {  	v12 =	vld.idx.msk [tilespmem:v2+s8+$0x0], $0xffff  }
0xc3: {  	v13 =	vld.idx.msk [tilespmem:v3+s8+$0x0], $0xffff  }
0xc4: {  	v7 =	vld.idx.msk [tilespmem:v4+s8+$0x0], $0xffff  }
0xc5: {  	v6 =	vld.idx.msk [tilespmem:v5+s8+$0x0], $0xffff  }
0xc6: {  	v5 =	vld.idx.msk [tilespmem:v8+s8+$0x0], $0xffff  }
0xc7: {  	v3 =	vld.idx.msk [tilespmem:v9+s8+$0x0], $0xffff  }
0xc8: {  	v2 =	vld.idx.msk [tilespmem:v10+s8+$0x0], $0xffff;
	v8 =	vadd.f32 v12, v1  }
0xc9: {  	s23 =	simm.s32 $0x1C740;
	s24 =	simm.s32 $0x0;
	s26 =	simm.s32 $0x1A7F0;
	v4 =	vld.idx.msk [tilespmem:v11+s8+$0x0], $0xffff;
	v9 =	vadd.f32 v13, v1  }
.LBB2_10:
0xca: {  	v10 =	vld [tilespmem:s26+$0x0];
	s24 =	sadd.s32 $0x80, s24;
	v7 =	vadd.f32 v7, v1;
	[tilespmem:s23+$0x30] =	vst v8  }
0xcb: {  	v6 =	vadd.f32 v6, v1;
	v8 =	vld [tilespmem:s26+$0xFFFFFFA0];
	p1 =	slt.u32 s24, $0xF80;
	[tilespmem:s23+$0xFFFFFFD0] =	vst v9  }
0xcc: {  	v5 =	vadd.f32 v5, v1;
	v9 =	vld [tilespmem:s26+$0xFFFFFFB0];
	[tilespmem:s23+$0xFFFFFFE0] =	vst v7  }
0xcd: {  	v3 =	vadd.f32 v3, v1;
	v11 =	vld [tilespmem:s26+$0xFFFFFFC0];
	[tilespmem:s23+$0xFFFFFFF0] =	vst v6  }
0xce: {  	v2 =	vadd.f32 v2, v1;
	v12 =	vld [tilespmem:s26+$0xFFFFFFD0];
	[tilespmem:s23+$0x0] =	vst v5  }
0xcf: {  	v4 =	vadd.f32 v4, v1;
	v13 =	vld [tilespmem:s26+$0xFFFFFFE0];
	[tilespmem:s23+$0x10] =	vst v3  }
0xd0: {  	v14 =	vld [tilespmem:s26+$0xFFFFFFF0];
	[tilespmem:s23+$0x20] =	vst v2  }
0xd1: {  	v15 =	vld [tilespmem:s26+$0xFFFFFF90];
	[tilespmem:s23+$0xFFFFFFC0] =	vst v4  }
0xd2: {  	v4 =	vld.idx.msk [tilespmem:v10+s8+$0x0], $0xffff  }
0xd3: {  	v10 =	vld.idx.msk [tilespmem:v8+s8+$0x0], $0xffff  }
0xd4: {  	v7 =	vld.idx.msk [tilespmem:v9+s8+$0x0], $0xffff  }
.Ltmp6:
0xd5: {  	v6 =	vld.idx.msk [tilespmem:v11+s8+$0x0], $0xffff;
	(pc) =	sbr.rel @p1 .LBB2_10-.Ltmp6, $4  }
0xd6: {  	v5 =	vld.idx.msk [tilespmem:v12+s8+$0x0], $0xffff  }
0xd7: {  	v3 =	vld.idx.msk [tilespmem:v13+s8+$0x0], $0xffff  }
0xd8: {  	v8 =	vadd.f32 v4, v1;
	v2 =	vld.idx.msk [tilespmem:v14+s8+$0x0], $0xffff  }
0xd9: {  	s26 =	sadd.s32 $0x80, s26;
	s23 =	sadd.s32 $0x80, s23;
	v9 =	vadd.f32 v10, v1;
	v4 =	vld.idx.msk [tilespmem:v15+s8+$0x0], $0xffff  }
0xda: {  	v7 =	vadd.f32 v7, v1;
	[tilespmem:s23+$0x30] =	vst v8  }
0xdb: {  	v6 =	vadd.f32 v6, v1;
	[tilespmem:s23+$0xFFFFFFD0] =	vst v9  }
0xdc: {  	v5 =	vadd.f32 v5, v1;
	[tilespmem:s23+$0xFFFFFFE0] =	vst v7  }
0xdd: {  	[tilespmem:s23+$0xFFFFFFF0] =	vst v6;
	v3 =	vadd.f32 v3, v1  }
0xde: {  	[tilespmem:s23+$0x0] =	vst v5;
	v2 =	vadd.f32 v2, v1  }
0xdf: {  	v4 =	vadd.f32 v4, v1;
	[tilespmem:s23+$0x10] =	vst v3  }
0xe0: {  	[tilespmem:s23+$0x20] =	vst v2  }
0xe1: {  	s24 =	sadd.s32 s22, s18;
	[tilespmem:s23+$0xFFFFFFC0] =	vst v4  }
0xe2: {  	[hbm4b:s24+s6] =	stream.strided.scatter [tilespmem:s0], [sflag:$0x2], $0x1000, s3, s6, $0x38;
	[tilespmem:$0x1EA00] =	vst v63  }
0xe3: {  	_ =	swait.ge [sflag:s14], $0x1000  }
0xe4: {  	[sflag:s14] =	ssyncset.done $0x0  }
0xe5: {  	s26 =	simm.s32 $0x1B770;
	[sflag:s14] =	ssyncadd.s32 $0xFFFFF000  }
0xe6: {  	v2 =	vld [tilespmem:s26+$0x0]  }
0xe7: {  	v3 =	vld [tilespmem:s26+$0xFFFFFFA0]  }
0xe8: {  	v4 =	vld [tilespmem:s26+$0xFFFFFFB0]  }
0xe9: {  	v5 =	vld [tilespmem:s26+$0xFFFFFFC0]  }
0xea: {  	v8 =	vld [tilespmem:s26+$0xFFFFFFD0]  }
0xeb: {  	v9 =	vld [tilespmem:s26+$0xFFFFFFE0]  }
0xec: {  	v10 =	vld [tilespmem:s26+$0xFFFFFFF0]  }
0xed: {  	v11 =	vld [tilespmem:s26+$0xFFFFFF90]  }
0xee: {  	v12 =	vld.idx.msk [tilespmem:v2+s8+$0x0], $0xffff  }
0xef: {  	v13 =	vld.idx.msk [tilespmem:v3+s8+$0x0], $0xffff  }
0xf0: {  	v7 =	vld.idx.msk [tilespmem:v4+s8+$0x0], $0xffff  }
0xf1: {  	v6 =	vld.idx.msk [tilespmem:v5+s8+$0x0], $0xffff  }
0xf2: {  	v5 =	vld.idx.msk [tilespmem:v8+s8+$0x0], $0xffff  }
0xf3: {  	v3 =	vld.idx.msk [tilespmem:v9+s8+$0x0], $0xffff  }
0xf4: {  	v2 =	vld.idx.msk [tilespmem:v10+s8+$0x0], $0xffff;
	v8 =	vadd.f32 v12, v1  }
0xf5: {  	s23 =	simm.s32 $0x1D740;
	s24 =	simm.s32 $0x0;
	s26 =	simm.s32 $0x1B7F0;
	v4 =	vld.idx.msk [tilespmem:v11+s8+$0x0], $0xffff;
	v9 =	vadd.f32 v13, v1  }
.LBB2_12:
0xf6: {  	v10 =	vld [tilespmem:s26+$0x0];
	s24 =	sadd.s32 $0x80, s24;
	v7 =	vadd.f32 v7, v1;
	[tilespmem:s23+$0x30] =	vst v8  }
0xf7: {  	v6 =	vadd.f32 v6, v1;
	v8 =	vld [tilespmem:s26+$0xFFFFFFA0];
	p1 =	slt.u32 s24, $0xF80;
	[tilespmem:s23+$0xFFFFFFD0] =	vst v9  }
0xf8: {  	v5 =	vadd.f32 v5, v1;
	v9 =	vld [tilespmem:s26+$0xFFFFFFB0];
	[tilespmem:s23+$0xFFFFFFE0] =	vst v7  }
0xf9: {  	v3 =	vadd.f32 v3, v1;
	v11 =	vld [tilespmem:s26+$0xFFFFFFC0];
	[tilespmem:s23+$0xFFFFFFF0] =	vst v6  }
0xfa: {  	v2 =	vadd.f32 v2, v1;
	v12 =	vld [tilespmem:s26+$0xFFFFFFD0];
	[tilespmem:s23+$0x0] =	vst v5  }
0xfb: {  	v4 =	vadd.f32 v4, v1;
	v13 =	vld [tilespmem:s26+$0xFFFFFFE0];
	[tilespmem:s23+$0x10] =	vst v3  }
0xfc: {  	v14 =	vld [tilespmem:s26+$0xFFFFFFF0];
	[tilespmem:s23+$0x20] =	vst v2  }
0xfd: {  	v15 =	vld [tilespmem:s26+$0xFFFFFF90];
	[tilespmem:s23+$0xFFFFFFC0] =	vst v4  }
0xfe: {  	v4 =	vld.idx.msk [tilespmem:v10+s8+$0x0], $0xffff  }
0xff: {  	v10 =	vld.idx.msk [tilespmem:v8+s8+$0x0], $0xffff  }
0x100: {  	v7 =	vld.idx.msk [tilespmem:v9+s8+$0x0], $0xffff  }
.Ltmp7:
0x101: {  	v6 =	vld.idx.msk [tilespmem:v11+s8+$0x0], $0xffff;
	(pc) =	sbr.rel @p1 .LBB2_12-.Ltmp7, $4  }
0x102: {  	v5 =	vld.idx.msk [tilespmem:v12+s8+$0x0], $0xffff  }
0x103: {  	v3 =	vld.idx.msk [tilespmem:v13+s8+$0x0], $0xffff  }
0x104: {  	v8 =	vadd.f32 v4, v1;
	v2 =	vld.idx.msk [tilespmem:v14+s8+$0x0], $0xffff  }
0x105: {  	s26 =	sadd.s32 $0x80, s26;
	s23 =	sadd.s32 $0x80, s23;
	v9 =	vadd.f32 v10, v1;
	v4 =	vld.idx.msk [tilespmem:v15+s8+$0x0], $0xffff  }
0x106: {  	v7 =	vadd.f32 v7, v1;
	[tilespmem:s23+$0x30] =	vst v8  }
0x107: {  	v6 =	vadd.f32 v6, v1;
	[tilespmem:s23+$0xFFFFFFD0] =	vst v9  }
0x108: {  	v5 =	vadd.f32 v5, v1;
	[tilespmem:s23+$0xFFFFFFE0] =	vst v7  }
0x109: {  	[tilespmem:s23+$0xFFFFFFF0] =	vst v6;
	v3 =	vadd.f32 v3, v1  }
0x10a: {  	[tilespmem:s23+$0x0] =	vst v5;
	v2 =	vadd.f32 v2, v1  }
0x10b: {  	p1 =	seq.s32 s21, $0xF;
	v1 =	vadd.f32 v4, v1;
	[tilespmem:s23+$0x10] =	vst v3  }
0x10c: {  	s21 =	sshrl.u32 @!p1 s16, $0x3;
	[tilespmem:s23+$0x20] =	vst v2  }
0x10d: {  	s22 =	sadd.s32 s22, s19;
	s21 =	smul.u32 @!p1 $0xC3800, s21;
	[tilespmem:s23+$0xFFFFFFC0] =	vst v1  }
0x10e: {  	[hbm4b:s22+s6] =	stream.strided.scatter [tilespmem:s5], [sflag:$0x2], $0x1000, s3, s6, $0x38;
	[tilespmem:$0x1EA00] =	vst v63  }
0x10f: {  	s22 =	sshll.u32 @!p1 s16, $0x7  }
0x110: {  	s21 =	sadd.s32 @!p1 s12, s21;
	s22 =	sand.u32 @!p1 $0x380, s22  }
0x111: {  	s21 =	sor.u32 @!p1 s22, s21  }
0x112: {  	s24 =	simm.s32 @!p1 $0x0;
	p2 =	seq.s32 @!p1 s16, $0x10;
	s21 =	sshrl.u32 @!p1 s21, $0x3  }
0x113: {  	s23 =	simm.s32 @!p1 $0x400;
	s22 =	simm.s32 @!p1 $0x80;
	s21 =	sadd.s32 @!p1 s2, s21  }
0x114: {  	[tilespmem:s24], [sflag:$0x1] =	stream.strided.gather @!p1 [hbm4b:s21+s22], $0x18700, s23, s22, $0x38;
	[tilespmem:$0x1EA00] =	vst v63  }
0x115: {  	p1 =	por p1, p2  }
.Ltmp8:
0x116: {  	_ = 	snop;
	(pc) =	sbr.rel @!p1 .LBB2_5-.Ltmp8, $4  }
.Ltmp9:
0x117: {  	_ = 	snop;
	(pc) =	sbr.rel @p1 .LBB2_24-.Ltmp9, $4  }
0x118: {  	_ = 	snop  }
0x119: {  	_ = 	snop  }
0x11a: {  	s21 =	smov.u32 s16  }
0x11b: {  	_ = 	snop  }
.LBB2_14:
0x11c: {  	s16 =	simm.s32 $0x0;
	s21 =	rddreg [dreg:$0x1];
	s22 =	simm.s32 $0x18700  }
0x11d: {  	[tilespmem:s22], [sflag:$0x3] =	stream.linear.gather [hbm4b:s21+s16], $0x4000, $0x38;
	[tilespmem:$0x1EA00] =	vst v63  }
0x11e: {  	_ =	swait.ge [sflag:s30], $0x4000  }
0x11f: {  	[sflag:s30] =	ssyncset.done $0x0  }
0x120: {  	s23 =	rddreg [dreg:$0x8];
	[sflag:s30] =	ssyncadd.s32 $0xFFFFC000  }
0x121: {  	[hbm4b:s23+s6] =	stream.strided.scatter [tilespmem:s0], [sflag:$0x2], $0x1000, s3, s6, $0x38;
	[tilespmem:$0x1EA00] =	vst v63  }
0x122: {  	s24 =	rddreg [dreg:$0x9]  }
0x123: {  	[hbm4b:s24+s6] =	stream.strided.scatter [tilespmem:s5], [sflag:$0x2], $0x1000, s3, s6, $0x38;
	[tilespmem:$0x1EA00] =	vst v63  }
0x124: {  	s26 =	rddreg [dreg:$0xa]  }
0x125: {  	[tilespmem:s16], [sflag:$0x1] =	stream.strided.gather [hbm4b:s26+s6], $0x18700, s3, s6, $0x38;
	[tilespmem:$0x1EA00] =	vst v63  }
.LBB2_15:
0x126: {  	s21 =	sadd.s32 $0x11, s16  }
0x127: {  	s22 =	sshll.u32 s21, $0x4  }
0x128: {  	s22 =	sor.u32 s10, s22  }
0x129: {  	v1 =	vmov s22;
	_ =	sdelay $0x1  }
0x12a: {  	_ =	swait.ge [sflag:s1], $0x18700  }
0x12b: {  	[sflag:s1] =	ssyncset.done $0x0  }
0x12c: {  	[sflag:s1] =	ssyncadd.s32 $0xFFFE7900  }
0x12d: {  	v1 =	vld.idx.msk [tilespmem:v1+s29+$0x0], $0xffff;
	_ =	swait.ge [sflag:s14], $0x1000  }
0x12e: {  	[sflag:s14] =	ssyncset.done $0x0  }
0x12f: {  	s26 =	simm.s32 $0x18740;
	[sflag:s14] =	ssyncadd.s32 $0xFFFFF000  }
0x130: {  	v2 =	vld [tilespmem:s26+$0x30]  }
0x131: {  	v3 =	vld [tilespmem:s26+$0xFFFFFFD0]  }
0x132: {  	v4 =	vld [tilespmem:s26+$0xFFFFFFE0]  }
0x133: {  	v5 =	vld [tilespmem:s26+$0xFFFFFFF0]  }
0x134: {  	v8 =	vld [tilespmem:s26+$0x0]  }
0x135: {  	v9 =	vld [tilespmem:s26+$0x10]  }
0x136: {  	v10 =	vld [tilespmem:s26+$0x20]  }
0x137: {  	v11 =	vld [tilespmem:s26+$0xFFFFFFC0]  }
0x138: {  	v12 =	vld.idx.msk [tilespmem:v2+s8+$0x0], $0xffff  }
0x139: {  	v13 =	vld.idx.msk [tilespmem:v3+s8+$0x0], $0xffff  }
0x13a: {  	v7 =	vld.idx.msk [tilespmem:v4+s8+$0x0], $0xffff  }
0x13b: {  	v6 =	vld.idx.msk [tilespmem:v5+s8+$0x0], $0xffff  }
0x13c: {  	v5 =	vld.idx.msk [tilespmem:v8+s8+$0x0], $0xffff  }
0x13d: {  	v4 =	vld.idx.msk [tilespmem:v9+s8+$0x0], $0xffff  }
0x13e: {  	v2 =	vld.idx.msk [tilespmem:v10+s8+$0x0], $0xffff;
	v8 =	vadd.f32 v12, v1  }
0x13f: {  	s23 =	simm.s32 $0x0;
	s24 =	simm.s32 $0x187C0;
	s22 =	simm.s32 $0x1C740;
	v3 =	vld.idx.msk [tilespmem:v11+s8+$0x0], $0xffff;
	v9 =	vadd.f32 v13, v1  }
.LBB2_16:
0x140: {  	v10 =	vld [tilespmem:s24+$0x30];
	s23 =	sadd.s32 $0x80, s23;
	v7 =	vadd.f32 v7, v1;
	[tilespmem:s22+$0x30] =	vst v8  }
0x141: {  	v6 =	vadd.f32 v6, v1;
	v8 =	vld [tilespmem:s24+$0xFFFFFFD0];
	p1 =	slt.u32 s23, $0xF80;
	[tilespmem:s22+$0xFFFFFFD0] =	vst v9  }
0x142: {  	v5 =	vadd.f32 v5, v1;
	v9 =	vld [tilespmem:s24+$0xFFFFFFE0];
	[tilespmem:s22+$0xFFFFFFE0] =	vst v7  }
0x143: {  	v4 =	vadd.f32 v4, v1;
	v11 =	vld [tilespmem:s24+$0xFFFFFFF0];
	[tilespmem:s22+$0xFFFFFFF0] =	vst v6  }
0x144: {  	v2 =	vadd.f32 v2, v1;
	v12 =	vld [tilespmem:s24+$0x0];
	[tilespmem:s22+$0x0] =	vst v5  }
0x145: {  	v3 =	vadd.f32 v3, v1;
	v13 =	vld [tilespmem:s24+$0x10];
	[tilespmem:s22+$0x10] =	vst v4  }
0x146: {  	v14 =	vld [tilespmem:s24+$0x20];
	[tilespmem:s22+$0x20] =	vst v2  }
0x147: {  	v15 =	vld [tilespmem:s24+$0xFFFFFFC0];
	[tilespmem:s22+$0xFFFFFFC0] =	vst v3  }
0x148: {  	v3 =	vld.idx.msk [tilespmem:v10+s8+$0x0], $0xffff  }
0x149: {  	v10 =	vld.idx.msk [tilespmem:v8+s8+$0x0], $0xffff  }
0x14a: {  	v7 =	vld.idx.msk [tilespmem:v9+s8+$0x0], $0xffff  }
.Ltmp10:
0x14b: {  	v6 =	vld.idx.msk [tilespmem:v11+s8+$0x0], $0xffff;
	(pc) =	sbr.rel @p1 .LBB2_16-.Ltmp10, $4  }
0x14c: {  	v5 =	vld.idx.msk [tilespmem:v12+s8+$0x0], $0xffff  }
0x14d: {  	v4 =	vld.idx.msk [tilespmem:v13+s8+$0x0], $0xffff  }
0x14e: {  	v8 =	vadd.f32 v3, v1;
	v2 =	vld.idx.msk [tilespmem:v14+s8+$0x0], $0xffff  }
0x14f: {  	s24 =	sadd.s32 $0x80, s24;
	s22 =	sadd.s32 $0x80, s22;
	v9 =	vadd.f32 v10, v1;
	v3 =	vld.idx.msk [tilespmem:v15+s8+$0x0], $0xffff  }
0x150: {  	v7 =	vadd.f32 v7, v1;
	[tilespmem:s22+$0x30] =	vst v8  }
0x151: {  	v6 =	vadd.f32 v6, v1;
	[tilespmem:s22+$0xFFFFFFD0] =	vst v9  }
0x152: {  	v5 =	vadd.f32 v5, v1;
	[tilespmem:s22+$0xFFFFFFE0] =	vst v7  }
0x153: {  	[tilespmem:s22+$0xFFFFFFF0] =	vst v6;
	v4 =	vadd.f32 v4, v1  }
0x154: {  	s21 =	sshll.u32 s21, $0x12;
	[tilespmem:s22+$0x0] =	vst v5;
	v2 =	vadd.f32 v2, v1  }
0x155: {  	s21 =	sor.u32 s11, s21;
	v3 =	vadd.f32 v3, v1;
	[tilespmem:s22+$0x10] =	vst v4  }
0x156: {  	s21 =	sshrl.u32 s21, $0x3;
	[tilespmem:s22+$0x20] =	vst v2  }
0x157: {  	s24 =	sadd.s32 s7, s21;
	[tilespmem:s22+$0xFFFFFFC0] =	vst v3  }
0x158: {  	[hbm4b:s24+s6] =	stream.strided.scatter [tilespmem:s0], [sflag:$0x2], $0x1000, s3, s6, $0x38;
	[tilespmem:$0x1EA00] =	vst v63  }
0x159: {  	_ =	swait.ge [sflag:s14], $0x1000  }
0x15a: {  	[sflag:s14] =	ssyncset.done $0x0  }
0x15b: {  	s26 =	simm.s32 $0x19770;
	[sflag:s14] =	ssyncadd.s32 $0xFFFFF000  }
0x15c: {  	v2 =	vld [tilespmem:s26+$0x0]  }
0x15d: {  	v3 =	vld [tilespmem:s26+$0xFFFFFFA0]  }
0x15e: {  	v4 =	vld [tilespmem:s26+$0xFFFFFFB0]  }
0x15f: {  	v5 =	vld [tilespmem:s26+$0xFFFFFFC0]  }
0x160: {  	v8 =	vld [tilespmem:s26+$0xFFFFFFD0]  }
0x161: {  	v9 =	vld [tilespmem:s26+$0xFFFFFFE0]  }
0x162: {  	v10 =	vld [tilespmem:s26+$0xFFFFFFF0]  }
0x163: {  	v11 =	vld [tilespmem:s26+$0xFFFFFF90]  }
0x164: {  	v12 =	vld.idx.msk [tilespmem:v2+s8+$0x0], $0xffff  }
0x165: {  	v13 =	vld.idx.msk [tilespmem:v3+s8+$0x0], $0xffff  }
0x166: {  	v7 =	vld.idx.msk [tilespmem:v4+s8+$0x0], $0xffff  }
0x167: {  	v6 =	vld.idx.msk [tilespmem:v5+s8+$0x0], $0xffff  }
0x168: {  	v5 =	vld.idx.msk [tilespmem:v8+s8+$0x0], $0xffff  }
0x169: {  	v3 =	vld.idx.msk [tilespmem:v9+s8+$0x0], $0xffff  }
0x16a: {  	v2 =	vld.idx.msk [tilespmem:v10+s8+$0x0], $0xffff;
	v8 =	vadd.f32 v12, v1  }
0x16b: {  	s23 =	simm.s32 $0x0;
	s22 =	simm.s32 $0x1D740;
	s24 =	simm.s32 $0x197F0;
	v4 =	vld.idx.msk [tilespmem:v11+s8+$0x0], $0xffff;
	v9 =	vadd.f32 v13, v1  }
.LBB2_18:
0x16c: {  	v10 =	vld [tilespmem:s24+$0x0];
	s23 =	sadd.s32 $0x80, s23;
	v7 =	vadd.f32 v7, v1;
	[tilespmem:s22+$0x30] =	vst v8  }
0x16d: {  	v6 =	vadd.f32 v6, v1;
	v8 =	vld [tilespmem:s24+$0xFFFFFFA0];
	p1 =	slt.u32 s23, $0xF80;
	[tilespmem:s22+$0xFFFFFFD0] =	vst v9  }
0x16e: {  	v5 =	vadd.f32 v5, v1;
	v9 =	vld [tilespmem:s24+$0xFFFFFFB0];
	[tilespmem:s22+$0xFFFFFFE0] =	vst v7  }
0x16f: {  	v3 =	vadd.f32 v3, v1;
	v11 =	vld [tilespmem:s24+$0xFFFFFFC0];
	[tilespmem:s22+$0xFFFFFFF0] =	vst v6  }
0x170: {  	v2 =	vadd.f32 v2, v1;
	v12 =	vld [tilespmem:s24+$0xFFFFFFD0];
	[tilespmem:s22+$0x0] =	vst v5  }
0x171: {  	v4 =	vadd.f32 v4, v1;
	v13 =	vld [tilespmem:s24+$0xFFFFFFE0];
	[tilespmem:s22+$0x10] =	vst v3  }
0x172: {  	v14 =	vld [tilespmem:s24+$0xFFFFFFF0];
	[tilespmem:s22+$0x20] =	vst v2  }
0x173: {  	v15 =	vld [tilespmem:s24+$0xFFFFFF90];
	[tilespmem:s22+$0xFFFFFFC0] =	vst v4  }
0x174: {  	v4 =	vld.idx.msk [tilespmem:v10+s8+$0x0], $0xffff  }
0x175: {  	v10 =	vld.idx.msk [tilespmem:v8+s8+$0x0], $0xffff  }
0x176: {  	v7 =	vld.idx.msk [tilespmem:v9+s8+$0x0], $0xffff  }
.Ltmp11:
0x177: {  	v6 =	vld.idx.msk [tilespmem:v11+s8+$0x0], $0xffff;
	(pc) =	sbr.rel @p1 .LBB2_18-.Ltmp11, $4  }
0x178: {  	v5 =	vld.idx.msk [tilespmem:v12+s8+$0x0], $0xffff  }
0x179: {  	v3 =	vld.idx.msk [tilespmem:v13+s8+$0x0], $0xffff  }
0x17a: {  	v8 =	vadd.f32 v4, v1;
	v2 =	vld.idx.msk [tilespmem:v14+s8+$0x0], $0xffff  }
0x17b: {  	s24 =	sadd.s32 $0x80, s24;
	s22 =	sadd.s32 $0x80, s22;
	v9 =	vadd.f32 v10, v1;
	v4 =	vld.idx.msk [tilespmem:v15+s8+$0x0], $0xffff  }
0x17c: {  	v7 =	vadd.f32 v7, v1;
	[tilespmem:s22+$0x30] =	vst v8  }
0x17d: {  	v6 =	vadd.f32 v6, v1;
	[tilespmem:s22+$0xFFFFFFD0] =	vst v9  }
0x17e: {  	v5 =	vadd.f32 v5, v1;
	[tilespmem:s22+$0xFFFFFFE0] =	vst v7  }
0x17f: {  	[tilespmem:s22+$0xFFFFFFF0] =	vst v6;
	v3 =	vadd.f32 v3, v1  }
0x180: {  	[tilespmem:s22+$0x0] =	vst v5;
	v2 =	vadd.f32 v2, v1  }
0x181: {  	v4 =	vadd.f32 v4, v1;
	[tilespmem:s22+$0x10] =	vst v3  }
0x182: {  	[tilespmem:s22+$0x20] =	vst v2  }
0x183: {  	s24 =	sadd.s32 s21, s17;
	[tilespmem:s22+$0xFFFFFFC0] =	vst v4  }
0x184: {  	[hbm4b:s24+s6] =	stream.strided.scatter [tilespmem:s5], [sflag:$0x2], $0x1000, s3, s6, $0x38;
	[tilespmem:$0x1EA00] =	vst v63  }
0x185: {  	_ =	swait.ge [sflag:s14], $0x1000  }
0x186: {  	[sflag:s14] =	ssyncset.done $0x0  }
0x187: {  	s26 =	simm.s32 $0x1A770;
	[sflag:s14] =	ssyncadd.s32 $0xFFFFF000  }
0x188: {  	v2 =	vld [tilespmem:s26+$0x0]  }
0x189: {  	v3 =	vld [tilespmem:s26+$0xFFFFFFA0]  }
0x18a: {  	v4 =	vld [tilespmem:s26+$0xFFFFFFB0]  }
0x18b: {  	v5 =	vld [tilespmem:s26+$0xFFFFFFC0]  }
0x18c: {  	v8 =	vld [tilespmem:s26+$0xFFFFFFD0]  }
0x18d: {  	v9 =	vld [tilespmem:s26+$0xFFFFFFE0]  }
0x18e: {  	v10 =	vld [tilespmem:s26+$0xFFFFFFF0]  }
0x18f: {  	v11 =	vld [tilespmem:s26+$0xFFFFFF90]  }
0x190: {  	v12 =	vld.idx.msk [tilespmem:v2+s8+$0x0], $0xffff  }
0x191: {  	v13 =	vld.idx.msk [tilespmem:v3+s8+$0x0], $0xffff  }
0x192: {  	v7 =	vld.idx.msk [tilespmem:v4+s8+$0x0], $0xffff  }
0x193: {  	v6 =	vld.idx.msk [tilespmem:v5+s8+$0x0], $0xffff  }
0x194: {  	v5 =	vld.idx.msk [tilespmem:v8+s8+$0x0], $0xffff  }
0x195: {  	v3 =	vld.idx.msk [tilespmem:v9+s8+$0x0], $0xffff  }
0x196: {  	v2 =	vld.idx.msk [tilespmem:v10+s8+$0x0], $0xffff;
	v8 =	vadd.f32 v12, v1  }
0x197: {  	s23 =	simm.s32 $0x0;
	s22 =	simm.s32 $0x1C740;
	s24 =	simm.s32 $0x1A7F0;
	v4 =	vld.idx.msk [tilespmem:v11+s8+$0x0], $0xffff;
	v9 =	vadd.f32 v13, v1  }
.LBB2_20:
0x198: {  	v10 =	vld [tilespmem:s24+$0x0];
	s23 =	sadd.s32 $0x80, s23;
	v7 =	vadd.f32 v7, v1;
	[tilespmem:s22+$0x30] =	vst v8  }
0x199: {  	v6 =	vadd.f32 v6, v1;
	v8 =	vld [tilespmem:s24+$0xFFFFFFA0];
	p1 =	slt.u32 s23, $0xF80;
	[tilespmem:s22+$0xFFFFFFD0] =	vst v9  }
0x19a: {  	v5 =	vadd.f32 v5, v1;
	v9 =	vld [tilespmem:s24+$0xFFFFFFB0];
	[tilespmem:s22+$0xFFFFFFE0] =	vst v7  }
0x19b: {  	v3 =	vadd.f32 v3, v1;
	v11 =	vld [tilespmem:s24+$0xFFFFFFC0];
	[tilespmem:s22+$0xFFFFFFF0] =	vst v6  }
0x19c: {  	v2 =	vadd.f32 v2, v1;
	v12 =	vld [tilespmem:s24+$0xFFFFFFD0];
	[tilespmem:s22+$0x0] =	vst v5  }
0x19d: {  	v4 =	vadd.f32 v4, v1;
	v13 =	vld [tilespmem:s24+$0xFFFFFFE0];
	[tilespmem:s22+$0x10] =	vst v3  }
0x19e: {  	v14 =	vld [tilespmem:s24+$0xFFFFFFF0];
	[tilespmem:s22+$0x20] =	vst v2  }
0x19f: {  	v15 =	vld [tilespmem:s24+$0xFFFFFF90];
	[tilespmem:s22+$0xFFFFFFC0] =	vst v4  }
0x1a0: {  	v4 =	vld.idx.msk [tilespmem:v10+s8+$0x0], $0xffff  }
0x1a1: {  	v10 =	vld.idx.msk [tilespmem:v8+s8+$0x0], $0xffff  }
0x1a2: {  	v7 =	vld.idx.msk [tilespmem:v9+s8+$0x0], $0xffff  }
.Ltmp12:
0x1a3: {  	v6 =	vld.idx.msk [tilespmem:v11+s8+$0x0], $0xffff;
	(pc) =	sbr.rel @p1 .LBB2_20-.Ltmp12, $4  }
0x1a4: {  	v5 =	vld.idx.msk [tilespmem:v12+s8+$0x0], $0xffff  }
0x1a5: {  	v3 =	vld.idx.msk [tilespmem:v13+s8+$0x0], $0xffff  }
0x1a6: {  	v8 =	vadd.f32 v4, v1;
	v2 =	vld.idx.msk [tilespmem:v14+s8+$0x0], $0xffff  }
0x1a7: {  	s24 =	sadd.s32 $0x80, s24;
	s22 =	sadd.s32 $0x80, s22;
	v9 =	vadd.f32 v10, v1;
	v4 =	vld.idx.msk [tilespmem:v15+s8+$0x0], $0xffff  }
0x1a8: {  	v7 =	vadd.f32 v7, v1;
	[tilespmem:s22+$0x30] =	vst v8  }
0x1a9: {  	v6 =	vadd.f32 v6, v1;
	[tilespmem:s22+$0xFFFFFFD0] =	vst v9  }
0x1aa: {  	v5 =	vadd.f32 v5, v1;
	[tilespmem:s22+$0xFFFFFFE0] =	vst v7  }
0x1ab: {  	[tilespmem:s22+$0xFFFFFFF0] =	vst v6;
	v3 =	vadd.f32 v3, v1  }
0x1ac: {  	[tilespmem:s22+$0x0] =	vst v5;
	v2 =	vadd.f32 v2, v1  }
0x1ad: {  	v4 =	vadd.f32 v4, v1;
	[tilespmem:s22+$0x10] =	vst v3  }
0x1ae: {  	[tilespmem:s22+$0x20] =	vst v2  }
0x1af: {  	s24 =	sadd.s32 s21, s18;
	[tilespmem:s22+$0xFFFFFFC0] =	vst v4  }
0x1b0: {  	[hbm4b:s24+s6] =	stream.strided.scatter [tilespmem:s0], [sflag:$0x2], $0x1000, s3, s6, $0x38;
	[tilespmem:$0x1EA00] =	vst v63  }
0x1b1: {  	_ =	swait.ge [sflag:s14], $0x1000  }
0x1b2: {  	[sflag:s14] =	ssyncset.done $0x0  }
0x1b3: {  	s26 =	simm.s32 $0x1B770;
	[sflag:s14] =	ssyncadd.s32 $0xFFFFF000  }
0x1b4: {  	v2 =	vld [tilespmem:s26+$0x0]  }
0x1b5: {  	v3 =	vld [tilespmem:s26+$0xFFFFFFA0]  }
0x1b6: {  	v4 =	vld [tilespmem:s26+$0xFFFFFFB0]  }
0x1b7: {  	v5 =	vld [tilespmem:s26+$0xFFFFFFC0]  }
0x1b8: {  	v8 =	vld [tilespmem:s26+$0xFFFFFFD0]  }
0x1b9: {  	v9 =	vld [tilespmem:s26+$0xFFFFFFE0]  }
0x1ba: {  	v10 =	vld [tilespmem:s26+$0xFFFFFFF0]  }
0x1bb: {  	v11 =	vld [tilespmem:s26+$0xFFFFFF90]  }
0x1bc: {  	v12 =	vld.idx.msk [tilespmem:v2+s8+$0x0], $0xffff  }
0x1bd: {  	v13 =	vld.idx.msk [tilespmem:v3+s8+$0x0], $0xffff  }
0x1be: {  	v7 =	vld.idx.msk [tilespmem:v4+s8+$0x0], $0xffff  }
0x1bf: {  	v6 =	vld.idx.msk [tilespmem:v5+s8+$0x0], $0xffff  }
0x1c0: {  	v5 =	vld.idx.msk [tilespmem:v8+s8+$0x0], $0xffff  }
0x1c1: {  	v3 =	vld.idx.msk [tilespmem:v9+s8+$0x0], $0xffff  }
0x1c2: {  	v2 =	vld.idx.msk [tilespmem:v10+s8+$0x0], $0xffff;
	v8 =	vadd.f32 v12, v1  }
0x1c3: {  	s23 =	simm.s32 $0x0;
	s22 =	simm.s32 $0x1D740;
	s24 =	simm.s32 $0x1B7F0;
	v4 =	vld.idx.msk [tilespmem:v11+s8+$0x0], $0xffff;
	v9 =	vadd.f32 v13, v1  }
.LBB2_22:
0x1c4: {  	v10 =	vld [tilespmem:s24+$0x0];
	s23 =	sadd.s32 $0x80, s23;
	v7 =	vadd.f32 v7, v1;
	[tilespmem:s22+$0x30] =	vst v8  }
0x1c5: {  	v6 =	vadd.f32 v6, v1;
	v8 =	vld [tilespmem:s24+$0xFFFFFFA0];
	p1 =	slt.u32 s23, $0xF80;
	[tilespmem:s22+$0xFFFFFFD0] =	vst v9  }
0x1c6: {  	v5 =	vadd.f32 v5, v1;
	v9 =	vld [tilespmem:s24+$0xFFFFFFB0];
	[tilespmem:s22+$0xFFFFFFE0] =	vst v7  }
0x1c7: {  	v3 =	vadd.f32 v3, v1;
	v11 =	vld [tilespmem:s24+$0xFFFFFFC0];
	[tilespmem:s22+$0xFFFFFFF0] =	vst v6  }
0x1c8: {  	v2 =	vadd.f32 v2, v1;
	v12 =	vld [tilespmem:s24+$0xFFFFFFD0];
	[tilespmem:s22+$0x0] =	vst v5  }
0x1c9: {  	v4 =	vadd.f32 v4, v1;
	v13 =	vld [tilespmem:s24+$0xFFFFFFE0];
	[tilespmem:s22+$0x10] =	vst v3  }
0x1ca: {  	v14 =	vld [tilespmem:s24+$0xFFFFFFF0];
	[tilespmem:s22+$0x20] =	vst v2  }
0x1cb: {  	v15 =	vld [tilespmem:s24+$0xFFFFFF90];
	[tilespmem:s22+$0xFFFFFFC0] =	vst v4  }
0x1cc: {  	v4 =	vld.idx.msk [tilespmem:v10+s8+$0x0], $0xffff  }
0x1cd: {  	v10 =	vld.idx.msk [tilespmem:v8+s8+$0x0], $0xffff  }
0x1ce: {  	v7 =	vld.idx.msk [tilespmem:v9+s8+$0x0], $0xffff  }
.Ltmp13:
0x1cf: {  	v6 =	vld.idx.msk [tilespmem:v11+s8+$0x0], $0xffff;
	(pc) =	sbr.rel @p1 .LBB2_22-.Ltmp13, $4  }
0x1d0: {  	v5 =	vld.idx.msk [tilespmem:v12+s8+$0x0], $0xffff  }
0x1d1: {  	v3 =	vld.idx.msk [tilespmem:v13+s8+$0x0], $0xffff  }
0x1d2: {  	v8 =	vadd.f32 v4, v1;
	v2 =	vld.idx.msk [tilespmem:v14+s8+$0x0], $0xffff  }
0x1d3: {  	s24 =	sadd.s32 $0x80, s24;
	s22 =	sadd.s32 $0x80, s22;
	v9 =	vadd.f32 v10, v1;
	v4 =	vld.idx.msk [tilespmem:v15+s8+$0x0], $0xffff  }
0x1d4: {  	v7 =	vadd.f32 v7, v1;
	[tilespmem:s22+$0x30] =	vst v8  }
0x1d5: {  	v6 =	vadd.f32 v6, v1;
	[tilespmem:s22+$0xFFFFFFD0] =	vst v9  }
0x1d6: {  	v5 =	vadd.f32 v5, v1;
	[tilespmem:s22+$0xFFFFFFE0] =	vst v7  }
0x1d7: {  	[tilespmem:s22+$0xFFFFFFF0] =	vst v6;
	v3 =	vadd.f32 v3, v1  }
0x1d8: {  	[tilespmem:s22+$0x0] =	vst v5;
	v2 =	vadd.f32 v2, v1  }
0x1d9: {  	v1 =	vadd.f32 v4, v1;
	[tilespmem:s22+$0x10] =	vst v3  }
0x1da: {  	p1 =	seq.s32 s16, $0xF;
	[tilespmem:s22+$0x20] =	vst v2  }
0x1db: {  	s21 =	sadd.s32 s21, s19;
	s16 =	sadd.s32 @!p1 $0x1, s16;
	[tilespmem:s22+$0xFFFFFFC0] =	vst v1  }
0x1dc: {  	[hbm4b:s21+s6] =	stream.strided.scatter [tilespmem:s5], [sflag:$0x2], $0x1000, s3, s6, $0x38;
	[tilespmem:$0x1EA00] =	vst v63  }
0x1dd: {  	s21 =	sshrl.u32 @!p1 s16, $0x3  }
0x1de: {  	s21 =	smul.u32 @!p1 $0xC3800, s21  }
0x1df: {  	s22 =	sshll.u32 @!p1 s16, $0x7  }
0x1e0: {  	s22 =	sand.u32 @!p1 $0x380, s22;
	s21 =	sadd.s32 @!p1 s12, s21  }
0x1e1: {  	s21 =	sor.u32 @!p1 s22, s21  }
0x1e2: {  	s23 =	simm.s32 @!p1 $0x400;
	s24 =	simm.s32 @!p1 $0x0;
	s21 =	sshrl.u32 @!p1 s21, $0x3  }
0x1e3: {  	p2 =	sne.s32 @!p1 s16, $0x10;
	s22 =	simm.s32 @!p1 $0x80;
	s21 =	sadd.s32 @!p1 s4, s21  }
0x1e4: {  	[tilespmem:s24], [sflag:$0x1] =	stream.strided.gather @!p1 [hbm4b:s21+s22], $0x18700, s23, s22, $0x38;
	[tilespmem:$0x1EA00] =	vst v63  }
0x1e5: {  	p1 =	por p1, !p2  }
.Ltmp14:
0x1e6: {  	_ = 	snop;
	(pc) =	sbr.rel @!p1 .LBB2_15-.Ltmp14, $4  }
.Ltmp15:
0x1e7: {  	_ = 	snop;
	(pc) =	sbr.rel @p1 .LBB2_24-.Ltmp15, $4  }
0x1e8: {  	_ = 	snop  }
0x1e9: {  	_ = 	snop  }
0x1ea: {  	_ = 	snop  }
0x1eb: {  	_ = 	snop  }
.LBB2_25:
0x1ec: {  	_ =	sfence.sel $0x180000  }
0x1ed: {  	[bflag:$0x0] =	sbarrier.arrive $0xFFFF  }
0x1ee: {  	_ =	strace $0x90000047  }
0x1ef: {  	s0 =	stileid.u32;
	[bflag:$0x2] =	sbarrier.arrive $0xFFFF  }
0x1f0: {  	p0 =	sne.s32 s0, $0x0;
	s0 =	rddreg [dreg:$0x7]  }
0x1f1: {  	s0 =	sadd.s32 @!p0 $0x100000, s0  }
0x1f2: {  	[sflag:s0] =	ssyncadd.tile.s32 @!p0 $0x1;
	_ =	shalt  }
.Lfunc_end2:
_tile_overlayer_lowered:
.L_overlay_start_2:
0x1f3: {  	(tag) =	ssettag $0x2  }
0x1f4: {  	s0 =	rddreg [dreg:$0x0];
	s2 =	stileid.u32  }
0x1f5: {  	s1 =	rddreg [dreg:$0x1];
	p0 =	sne.s32 s2, $0x0  }
0x1f6: {  	s3 =	rddreg [dreg:$0x2];
	[bflag:$0x3] =	sbarrier.arrive $0xFFFF;
	s2 =	simm.s32 @!p0 $0x1C03  }
0x1f7: {  	[timem:s3], [sflag:s2] =	dma.local @!p0 [hbm:s0], s1  }
0x1f8: {  	s0 =	simm.s32 @!p0 $0x3  }
0x1f9: {  	_ =	swait.ge @!p0 [sflag:s0], s1  }
0x1fa: {  	s1 =	ssub.s32 @!p0 $0x0, s1;
	[sflag:s0] =	ssyncset.done @!p0 $0x0  }
0x1fb: {  	[sflag:s0] =	ssyncadd.s32 @!p0 s1  }
0x1fc: {  	[bflag:$0x3] =	sbarrier.arrive $0xFFFF  }
0x1fd: {  	_ =	shalt  }

</sc_bundles>
